<compile_context>
chip_gen: v7x
topology: tpu7x:2x2x1
jax: 0.10.2.dev20260603
libtpu: 0.0.44.dev20260713+nightly
codegen_flags: <defaults>
</compile_context>

<pallas_src>
import functools

import jax
import jax.numpy as jnp
from jax import lax
from jax.experimental import pallas as pl
from jax.experimental.pallas import tpu as pltpu
from jax.experimental.pallas import tpu_sc as plsc

_SEQ = 200
_BATCH = 4096
_DIM = 64
_VOCAB = 1000000
_NC = 2
_NS = 16
_NW = _NC * _NS
_BTILE = _BATCH // _NW
_LANES = 16
_BGROUPS = _BTILE // _LANES
_RSTRIDE = _DIM + 1


def _make_sc_call():
    mesh = plsc.VectorSubcoreMesh(
        core_axis_name="c", subcore_axis_name="s",
        num_cores=_NC, num_subcores=_NS)

    @functools.partial(
        pl.kernel,
        out_type=jax.ShapeDtypeStruct(
            (_SEQ, _DIM // 8, _NW, 8, _BTILE), jnp.float32),
        mesh=mesh,
        scratch_types=[
            pltpu.VMEM((2, _BTILE), jnp.int32),
            pltpu.VMEM((_BTILE, _DIM), jnp.float32),
            pltpu.VMEM((_BTILE, _DIM), jnp.float32),
            pltpu.VMEM((_BTILE * _RSTRIDE,), jnp.float32),
            pltpu.VMEM((2, _DIM // 8, 8, _BTILE), jnp.float32),
            pltpu.VMEM((_SEQ, _DIM), jnp.float32),
            pltpu.SemaphoreType.DMA((2,)),
            pltpu.SemaphoreType.DMA((2,)),
        ],
        compiler_params=pltpu.CompilerParams(
            use_tc_tiling_on_sc=False, needs_layout_passes=False),
    )
    def sc_embed(xt_hbm, tok_hbm, pos_hbm, out_hbm, idx_v, rows_a, rows_b,
                 rp_v, xp_v, pos_v, gsem, osem):
        w = lax.axis_index("s") * _NC + lax.axis_index("c")
        b0 = w * _BTILE
        pltpu.sync_copy(pos_hbm, pos_v)

        iota = lax.iota(jnp.int32, _LANES)
        iota_rs = iota * _RSTRIDE

        def stage_and_fire(s, p, rows):
            pltpu.sync_copy(xt_hbm.at[s, pl.ds(b0, _BTILE)], idx_v.at[p])

            @plsc.parallel_loop(0, _BGROUPS, 1, unroll=4)
            def _(g):
                sl = pl.ds(g * _LANES, _LANES)
                idx_v[p, sl] = idx_v[p, sl] * 2

            pltpu.async_copy(tok_hbm.at[idx_v.at[p]], rows, gsem.at[p])

        def process(s, p, rows):
            pvec = [pos_v[s, pl.ds(c * _LANES, _LANES)] for c in range(4)]

            @plsc.parallel_loop(0, _BTILE, 1, unroll=4)
            def _(b):
                base = b * _RSTRIDE
                for c in range(4):
                    v = rows[b, pl.ds(c * _LANES, _LANES)] + pvec[c]
                    rp_v[pl.ds(base + c * _LANES, _LANES)] = v

            @plsc.parallel_loop(0, _DIM * _BGROUPS, 1, unroll=8)
            def _(k):
                d = k // _BGROUPS
                g = k - d * _BGROUPS
                flat = iota_rs + (g * _LANES * _RSTRIDE + d)
                vals = plsc.load_gather(rp_v, [flat])
                xp_v[p, d // 8, d % 8, pl.ds(g * _LANES, _LANES)] = vals

            pltpu.async_copy(xp_v.at[p], out_hbm.at[s, :, w], osem.at[p])

        stage_and_fire(0, 0, rows_a)

        def body(s, carry):
            p = lax.rem(s, 2)
            q = 1 - p

            @pl.when(s + 1 < _SEQ)
            def _():
                @pl.when(s >= 1)
                def _():
                    pltpu.make_async_copy(
                        xp_v.at[q], out_hbm.at[0, :, w], osem.at[q]).wait()

                @pl.when(p == 0)
                def _():
                    stage_and_fire(s + 1, 1, rows_b)

                @pl.when(p == 1)
                def _():
                    stage_and_fire(s + 1, 0, rows_a)

            @pl.when(p == 0)
            def _():
                pltpu.make_async_copy(tok_hbm.at[idx_v.at[0]], rows_a,
                                      gsem.at[0]).wait()
                process(s, 0, rows_a)

            @pl.when(p == 1)
            def _():
                pltpu.make_async_copy(tok_hbm.at[idx_v.at[1]], rows_b,
                                      gsem.at[1]).wait()
                process(s, 1, rows_b)

            return carry

        lax.fori_loop(0, _SEQ, body, 0)

        for p in range(2):
            pltpu.make_async_copy(xp_v.at[p], out_hbm.at[0, :, w],
                                  osem.at[p]).wait()

    return sc_embed


_sc_embed = _make_sc_call()


@jax.jit
def kernel(x, token_table, pos_table):
    tok2 = jnp.pad(token_table, ((0, 0), (0, _DIM))).reshape(2 * _VOCAB, _DIM)
    out5 = _sc_embed(x.T, tok2, pos_table)
    return out5.transpose(2, 4, 0, 1, 3).reshape(_BATCH, _SEQ, _DIM)

# --- scband reference (transcript-rebuilt; emitter-appended) ---
"""Pipeline reference for scband-positional-embedding-66803921322296 (READ-ONLY COPY).

The authoritative reference and input builder live on the scoring server;
editing this copy changes nothing except your own understanding.
"""

import jax, jax.numpy as jnp
import numpy as np

SEQ_LEN = 200
VOCAB_SIZE = 1000000
EMBED_DIM = 64
BATCH = 4096

def setup_inputs(seed: int = 0) -> dict:
    key = jax.random.key(seed)
    k_x, k_tok, k_pos = jax.random.split(key, 3)
    x = jax.random.randint(k_x, (BATCH, SEQ_LEN), 0, VOCAB_SIZE, dtype=jnp.int32)
    token_table = jax.random.normal(k_tok, (VOCAB_SIZE, EMBED_DIM), dtype=jnp.float32) * 0.05
    pos_table = jax.random.normal(k_pos, (SEQ_LEN, EMBED_DIM), dtype=jnp.float32) * 0.05
    return {"x": x, "token_table": token_table, "pos_table": pos_table}

def reference(x, token_table, pos_table):
    # token embedding lookup: gather rows of token_table by x
    tok = jnp.take(token_table, x, axis=0)  # [B, S, D]
    # positional embedding: positions 0..seq_len-1
    positions = jnp.arange(SEQ_LEN, dtype=jnp.int32)
    pos = jnp.take(pos_table, positions, axis=0)  # [S, D]
    return tok + pos[None, :, :]

if __name__ == "__main__":
    import jax
    _d = setup_inputs()
    print(jax.jit(kernel)(*tuple(_d.values())))

</pallas_src>

<mosaic_0001>
#map = affine_map<(d0, d1) -> (0, 0)>
#map1 = affine_map<(d0, d1) -> (0, 0, 0, 0, 0)>
module attributes {stable_mosaic.version = 14 : i64} {
  func.func @sc_embed(%arg0: i32, %arg1: i32, %arg2: memref<200x4096xi32, #tpu.memory_space<hbm>>, %arg3: memref<2000000x64xf32, #tpu.memory_space<hbm>>, %arg4: memref<200x64xf32, #tpu.memory_space<hbm>>, %arg5: memref<200x8x32x8x128xf32, #tpu.memory_space<hbm>>, %arg6: memref<2x128xi32, #tpu.memory_space<vmem>>, %arg7: memref<128x64xf32, #tpu.memory_space<vmem>>, %arg8: memref<128x64xf32, #tpu.memory_space<vmem>>, %arg9: memref<8320xf32, #tpu.memory_space<vmem>>, %arg10: memref<2x8x8x128xf32, #tpu.memory_space<vmem>>, %arg11: memref<200x64xf32, #tpu.memory_space<vmem>>, %arg12: memref<2x!tpu.dma_semaphore, #tpu.memory_space<semaphore_mem>>, %arg13: memref<2x!tpu.dma_semaphore, #tpu.memory_space<semaphore_mem>>) attributes {dimension_semantics = [#tpu.dimension_semantics<core_parallel>, #tpu.dimension_semantics<subcore_parallel>], iteration_bounds = array<i64: 2, 16>, scalar_prefetch = 0 : i64, scratch_operands = 8 : i64, tpu.core_type = #tpu.core_type<sc_vector_subcore>, window_params = [{transform_indices = #map}, {transform_indices = #map}, {transform_indices = #map}, {transform_indices = #map1}]} {
    %mul3A = arith.constant 2 : i32
    %mul3A_0 = arith.muli %arg1, %mul3A : i32
    %add3A = arith.addi %mul3A_0, %arg0 : i32
    %mul3A_1 = arith.constant 128 : i32
    %mul3A_2 = arith.muli %add3A, %mul3A_1 : i32
    "tpu.region"() ({
      %run_scoped3A_72 = tpu.sem_alloc : memref<!tpu.dma_semaphore, #tpu.memory_space<semaphore_mem>>
      tpu.enqueue_dma source(%arg4 : memref<200x64xf32, #tpu.memory_space<hbm>>) target(%arg11 : memref<200x64xf32, #tpu.memory_space<vmem>>) target_semaphore(%run_scoped3A_72 : memref<!tpu.dma_semaphore, #tpu.memory_space<semaphore_mem>>)
      tpu.wait_dma2 semaphore(%run_scoped3A_72 : memref<!tpu.dma_semaphore, #tpu.memory_space<semaphore_mem>>) src(%arg4 : memref<200x64xf32, #tpu.memory_space<hbm>>) dst(%arg11 : memref<200x64xf32, #tpu.memory_space<vmem>>)
      tpu.yield
    }) : () -> ()
    %iota3A = tpu.iota {dimensions = array<i32: 0>} : vector<16xi32>
    %mul3A_3 = arith.constant 65 : i32
    %mul3A_4 = vector.broadcast %mul3A_3 : i32 to vector<16xi32>
    %mul3A_5 = arith.muli %iota3A, %mul3A_4 : vector<16xi32>
    %run_scoped3A = arith.constant 0 : i32
    %run_scoped3A_6 = arith.constant 0 : i32
    "tpu.region"() ({
      %run_scoped3A_72 = tpu.sem_alloc : memref<!tpu.dma_semaphore, #tpu.memory_space<semaphore_mem>>
      %dma_start3A_73 = arith.constant 0 : i32
      %dma_start3A_74 = tpu.memref_slice %arg6[%run_scoped3A_6, %dma_start3A_73] : memref<2x128xi32, #tpu.memory_space<vmem>> -> memref<1x128xi32, #tpu.memory_space<vmem>>
      %dma_start3A_75 = tpu.memref_squeeze %dma_start3A_74 : memref<1x128xi32, #tpu.memory_space<vmem>> -> memref<128xi32, #tpu.memory_space<vmem>>
      %dma_start3A_76 = tpu.memref_slice %arg2[%run_scoped3A, %mul3A_2] : memref<200x4096xi32, #tpu.memory_space<hbm>> -> memref<1x128xi32, #tpu.memory_space<hbm>>
      %dma_start3A_77 = tpu.memref_squeeze %dma_start3A_76 : memref<1x128xi32, #tpu.memory_space<hbm>> -> memref<128xi32, #tpu.memory_space<hbm>>
      %dma_start3A_78 = arith.constant 0 : i32
      %dma_start3A_79 = tpu.memref_slice %arg6[%run_scoped3A_6, %dma_start3A_78] : memref<2x128xi32, #tpu.memory_space<vmem>> -> memref<1x128xi32, #tpu.memory_space<vmem>>
      %dma_start3A_80 = tpu.memref_squeeze %dma_start3A_79 : memref<1x128xi32, #tpu.memory_space<vmem>> -> memref<128xi32, #tpu.memory_space<vmem>>
      %dma_start3A_81 = tpu.memref_slice %arg2[%run_scoped3A, %mul3A_2] : memref<200x4096xi32, #tpu.memory_space<hbm>> -> memref<1x128xi32, #tpu.memory_space<hbm>>
      %dma_start3A_82 = tpu.memref_squeeze %dma_start3A_81 : memref<1x128xi32, #tpu.memory_space<hbm>> -> memref<128xi32, #tpu.memory_space<hbm>>
      tpu.enqueue_dma source(%dma_start3A_82 : memref<128xi32, #tpu.memory_space<hbm>>) target(%dma_start3A_80 : memref<128xi32, #tpu.memory_space<vmem>>) target_semaphore(%run_scoped3A_72 : memref<!tpu.dma_semaphore, #tpu.memory_space<semaphore_mem>>)
      %dma_wait3A_83 = arith.constant 0 : i32
      %dma_wait3A_84 = tpu.memref_slice %arg6[%run_scoped3A_6, %dma_wait3A_83] : memref<2x128xi32, #tpu.memory_space<vmem>> -> memref<1x128xi32, #tpu.memory_space<vmem>>
      %dma_wait3A_85 = tpu.memref_squeeze %dma_wait3A_84 : memref<1x128xi32, #tpu.memory_space<vmem>> -> memref<128xi32, #tpu.memory_space<vmem>>
      %dma_wait3A_86 = tpu.memref_slice %arg2[%run_scoped3A, %mul3A_2] : memref<200x4096xi32, #tpu.memory_space<hbm>> -> memref<1x128xi32, #tpu.memory_space<hbm>>
      %dma_wait3A_87 = tpu.memref_squeeze %dma_wait3A_86 : memref<1x128xi32, #tpu.memory_space<hbm>> -> memref<128xi32, #tpu.memory_space<hbm>>
      %dma_wait3A_88 = arith.constant 0 : i32
      %dma_wait3A_89 = tpu.memref_slice %arg6[%run_scoped3A_6, %dma_wait3A_88] : memref<2x128xi32, #tpu.memory_space<vmem>> -> memref<1x128xi32, #tpu.memory_space<vmem>>
      %dma_wait3A_90 = tpu.memref_squeeze %dma_wait3A_89 : memref<1x128xi32, #tpu.memory_space<vmem>> -> memref<128xi32, #tpu.memory_space<vmem>>
      %dma_wait3A_91 = tpu.memref_slice %arg2[%run_scoped3A, %mul3A_2] : memref<200x4096xi32, #tpu.memory_space<hbm>> -> memref<1x128xi32, #tpu.memory_space<hbm>>
      %dma_wait3A_92 = tpu.memref_squeeze %dma_wait3A_91 : memref<1x128xi32, #tpu.memory_space<hbm>> -> memref<128xi32, #tpu.memory_space<hbm>>
      tpu.wait_dma2 semaphore(%run_scoped3A_72 : memref<!tpu.dma_semaphore, #tpu.memory_space<semaphore_mem>>) src(%dma_wait3A_92 : memref<128xi32, #tpu.memory_space<hbm>>) dst(%dma_wait3A_90 : memref<128xi32, #tpu.memory_space<vmem>>)
      tpu.yield
    }) : () -> ()
    %parallel_loop3A = arith.constant 0 : i32
    %parallel_loop3A_7 = arith.constant 8 : i32
    %parallel_loop3A_8 = arith.constant 1 : i32
    scf.for %parallel_loop3A_72 = %parallel_loop3A to %parallel_loop3A_7 step %parallel_loop3A_8  : i32 {
      %parallel_loop3A_73 = arith.constant 16 : i32
      %parallel_loop3A_74 = arith.muli %parallel_loop3A_72, %parallel_loop3A_73 : i32
      %parallel_loop3A_75 = arith.constant 0 : i32
      %parallel_loop3A_76 = arith.index_cast %parallel_loop3A_75 : i32 to index
      %parallel_loop3A_77 = arith.index_cast %parallel_loop3A_74 : i32 to index
      %parallel_loop3A_78 = tpu.vector_load %arg6[%parallel_loop3A_76, %parallel_loop3A_77] {strides = array<i32>} : memref<2x128xi32, #tpu.memory_space<vmem>>, vector<16xi32>,
      %parallel_loop3A_79 = arith.constant 2 : i32
      %parallel_loop3A_80 = vector.broadcast %parallel_loop3A_79 : i32 to vector<16xi32>
      %parallel_loop3A_81 = arith.muli %parallel_loop3A_78, %parallel_loop3A_80 : vector<16xi32>
      %parallel_loop3A_82 = arith.constant 0 : i32
      %parallel_loop3A_83 = arith.index_cast %parallel_loop3A_82 : i32 to index
      %parallel_loop3A_84 = arith.index_cast %parallel_loop3A_74 : i32 to index
      %parallel_loop3A_85 = tpu.vector_load %arg6[%parallel_loop3A_83, %parallel_loop3A_84] {strides = array<i32>} : memref<2x128xi32, #tpu.memory_space<vmem>>, vector<16xi32>,
      tpu.vector_store %arg6[%parallel_loop3A_83, %parallel_loop3A_84], %parallel_loop3A_81 {strides = array<i32>} : memref<2x128xi32, #tpu.memory_space<vmem>>, vector<16xi32>,
    } {sc.loop_unroll_factor = 4 : i64, sc.parallel_access}
    %dma_start3A = arith.constant 0 : i32
    %dma_start3A_9 = arith.constant 0 : i32
    %dma_start3A_10 = arith.constant 0 : i32
    %dma_start3A_11 = tpu.memref_slice %arg6[%dma_start3A, %dma_start3A_10] : memref<2x128xi32, #tpu.memory_space<vmem>> -> memref<1x128xi32, #tpu.memory_space<vmem>>
    %dma_start3A_12 = tpu.memref_squeeze %dma_start3A_11 : memref<1x128xi32, #tpu.memory_space<vmem>> -> memref<128xi32, #tpu.memory_space<vmem>>
    %dma_start3A_13 = arith.constant 0 : i32
    %dma_start3A_14 = arith.constant 0 : i32
    %dma_start3A_15 = tpu.memref_slice %arg3[%dma_start3A_13, %dma_start3A_14] : memref<2000000x64xf32, #tpu.memory_space<hbm>> -> memref<2000000x64xf32, #tpu.memory_space<hbm>>
    %dma_start3A_16 = tpu.memref_slice %arg12[%dma_start3A_9] : memref<2x!tpu.dma_semaphore, #tpu.memory_space<semaphore_mem>> -> memref<1x!tpu.dma_semaphore, #tpu.memory_space<semaphore_mem>>
    %dma_start3A_17 = tpu.memref_squeeze %dma_start3A_16 : memref<1x!tpu.dma_semaphore, #tpu.memory_space<semaphore_mem>> -> memref<!tpu.dma_semaphore, #tpu.memory_space<semaphore_mem>>
    tpu.enqueue_indirect_dma source(%dma_start3A_15 : memref<2000000x64xf32, #tpu.memory_space<hbm>>) target(%arg7 : memref<128x64xf32, #tpu.memory_space<vmem>>) offsets(%dma_start3A_12 : memref<128xi32, #tpu.memory_space<vmem>>) semaphore(%dma_start3A_17 : memref<!tpu.dma_semaphore, #tpu.memory_space<semaphore_mem>>)
    %scan3A = arith.constant 0 : i32
    %scan3A_18 = arith.constant 0 : i32
    %scan3A_19 = arith.constant 200 : i32
    %scan3A_20 = arith.addi %scan3A_18, %scan3A_19 : i32
    %scan3A_21 = arith.constant 1 : i32
    scf.for %scan3A_72 = %scan3A_18 to %scan3A_20 step %scan3A_21  : i32 {
      %rem3A = arith.constant 2 : i32
      %rem3A_73 = arith.remsi %scan3A_72, %rem3A : i32
      %sub3A = arith.constant 1 : i32
      %sub3A_74 = arith.subi %sub3A, %rem3A_73 : i32
      %add3A_75 = arith.constant 1 : i32
      %add3A_76 = arith.addi %scan3A_72, %add3A_75 : i32
      %lt3A = arith.constant 200 : i32
      %lt3A_77 = arith.cmpi slt, %add3A_76, %lt3A : i32
      %convert_element_type3A = arith.extui %lt3A_77 : i1 to i32
      %cond3A = arith.constant 0 : i32
      %cond3A_78 = arith.cmpi ne, %convert_element_type3A, %cond3A : i32
      scf.if %cond3A_78 {
        %ge3A = arith.constant 1 : i32
        %ge3A_88 = arith.cmpi sge, %scan3A_72, %ge3A : i32
        %convert_element_type3A_89 = arith.extui %ge3A_88 : i1 to i32
        %cond3A_90 = arith.constant 0 : i32
        %cond3A_91 = arith.cmpi ne, %convert_element_type3A_89, %cond3A_90 : i32
        scf.if %cond3A_91 {
          %dma_wait3A_102 = arith.constant 0 : i32
          %dma_wait3A_103 = arith.constant 0 : i32
          %dma_wait3A_104 = arith.constant 0 : i32
          %dma_wait3A_105 = arith.constant 0 : i32
          %dma_wait3A_106 = tpu.memref_slice %arg10[%sub3A_74, %dma_wait3A_103, %dma_wait3A_104, %dma_wait3A_105] : memref<2x8x8x128xf32, #tpu.memory_space<vmem>> -> memref<1x8x8x128xf32, #tpu.memory_space<vmem>>
          %dma_wait3A_107 = tpu.memref_squeeze %dma_wait3A_106 : memref<1x8x8x128xf32, #tpu.memory_space<vmem>> -> memref<8x8x128xf32, #tpu.memory_space<vmem>>
          %dma_wait3A_108 = arith.constant 0 : i32
          %dma_wait3A_109 = arith.constant 0 : i32
          %dma_wait3A_110 = arith.constant 0 : i32
          %dma_wait3A_111 = tpu.memref_slice %arg5[%dma_wait3A_102, %dma_wait3A_108, %add3A, %dma_wait3A_109, %dma_wait3A_110] : memref<200x8x32x8x128xf32, #tpu.memory_space<hbm>> -> memref<1x8x1x8x128xf32, #tpu.memory_space<hbm>>
          %dma_wait3A_112 = tpu.memref_squeeze %dma_wait3A_111 : memref<1x8x1x8x128xf32, #tpu.memory_space<hbm>> -> memref<8x8x128xf32, #tpu.memory_space<hbm>>
          %dma_wait3A_113 = tpu.memref_slice %arg13[%sub3A_74] : memref<2x!tpu.dma_semaphore, #tpu.memory_space<semaphore_mem>> -> memref<1x!tpu.dma_semaphore, #tpu.memory_space<semaphore_mem>>
          %dma_wait3A_114 = tpu.memref_squeeze %dma_wait3A_113 : memref<1x!tpu.dma_semaphore, #tpu.memory_space<semaphore_mem>> -> memref<!tpu.dma_semaphore, #tpu.memory_space<semaphore_mem>>
          %dma_wait3A_115 = arith.constant 0 : i32
          %dma_wait3A_116 = arith.constant 0 : i32
          %dma_wait3A_117 = arith.constant 0 : i32
          %dma_wait3A_118 = tpu.memref_slice %arg5[%dma_wait3A_102, %dma_wait3A_115, %add3A, %dma_wait3A_116, %dma_wait3A_117] : memref<200x8x32x8x128xf32, #tpu.memory_space<hbm>> -> memref<1x8x1x8x128xf32, #tpu.memory_space<hbm>>
          %dma_wait3A_119 = tpu.memref_squeeze %dma_wait3A_118 : memref<1x8x1x8x128xf32, #tpu.memory_space<hbm>> -> memref<8x8x128xf32, #tpu.memory_space<hbm>>
          %dma_wait3A_120 = arith.constant 0 : i32
          %dma_wait3A_121 = arith.constant 0 : i32
          %dma_wait3A_122 = arith.constant 0 : i32
          %dma_wait3A_123 = tpu.memref_slice %arg10[%sub3A_74, %dma_wait3A_120, %dma_wait3A_121, %dma_wait3A_122] : memref<2x8x8x128xf32, #tpu.memory_space<vmem>> -> memref<1x8x8x128xf32, #tpu.memory_space<vmem>>
          %dma_wait3A_124 = tpu.memref_squeeze %dma_wait3A_123 : memref<1x8x8x128xf32, #tpu.memory_space<vmem>> -> memref<8x8x128xf32, #tpu.memory_space<vmem>>
          tpu.wait_dma2 semaphore(%dma_wait3A_114 : memref<!tpu.dma_semaphore, #tpu.memory_space<semaphore_mem>>) src(%dma_wait3A_124 : memref<8x8x128xf32, #tpu.memory_space<vmem>>) dst(%dma_wait3A_119 : memref<8x8x128xf32, #tpu.memory_space<hbm>>)
        } else {
        }
        %eq3A_92 = arith.constant 0 : i32
        %eq3A_93 = arith.cmpi eq, %rem3A_73, %eq3A_92 : i32
        %convert_element_type3A_94 = arith.extui %eq3A_93 : i1 to i32
        %cond3A_95 = arith.constant 0 : i32
        %cond3A_96 = arith.cmpi ne, %convert_element_type3A_94, %cond3A_95 : i32
        scf.if %cond3A_96 {
          %add3A_102 = arith.constant 1 : i32
          %add3A_103 = arith.addi %scan3A_72, %add3A_102 : i32
          %run_scoped3A_104 = arith.constant 1 : i32
          "tpu.region"() ({
            %run_scoped3A_118 = tpu.sem_alloc : memref<!tpu.dma_semaphore, #tpu.memory_space<semaphore_mem>>
            %dma_start3A_119 = arith.constant 0 : i32
            %dma_start3A_120 = tpu.memref_slice %arg6[%run_scoped3A_104, %dma_start3A_119] : memref<2x128xi32, #tpu.memory_space<vmem>> -> memref<1x128xi32, #tpu.memory_space<vmem>>
            %dma_start3A_121 = tpu.memref_squeeze %dma_start3A_120 : memref<1x128xi32, #tpu.memory_space<vmem>> -> memref<128xi32, #tpu.memory_space<vmem>>
            %dma_start3A_122 = tpu.memref_slice %arg2[%add3A_103, %mul3A_2] : memref<200x4096xi32, #tpu.memory_space<hbm>> -> memref<1x128xi32, #tpu.memory_space<hbm>>
            %dma_start3A_123 = tpu.memref_squeeze %dma_start3A_122 : memref<1x128xi32, #tpu.memory_space<hbm>> -> memref<128xi32, #tpu.memory_space<hbm>>
            %dma_start3A_124 = arith.constant 0 : i32
            %dma_start3A_125 = tpu.memref_slice %arg6[%run_scoped3A_104, %dma_start3A_124] : memref<2x128xi32, #tpu.memory_space<vmem>> -> memref<1x128xi32, #tpu.memory_space<vmem>>
            %dma_start3A_126 = tpu.memref_squeeze %dma_start3A_125 : memref<1x128xi32, #tpu.memory_space<vmem>> -> memref<128xi32, #tpu.memory_space<vmem>>
            %dma_start3A_127 = tpu.memref_slice %arg2[%add3A_103, %mul3A_2] : memref<200x4096xi32, #tpu.memory_space<hbm>> -> memref<1x128xi32, #tpu.memory_space<hbm>>
            %dma_start3A_128 = tpu.memref_squeeze %dma_start3A_127 : memref<1x128xi32, #tpu.memory_space<hbm>> -> memref<128xi32, #tpu.memory_space<hbm>>
            tpu.enqueue_dma source(%dma_start3A_128 : memref<128xi32, #tpu.memory_space<hbm>>) target(%dma_start3A_126 : memref<128xi32, #tpu.memory_space<vmem>>) target_semaphore(%run_scoped3A_118 : memref<!tpu.dma_semaphore, #tpu.memory_space<semaphore_mem>>)
            %dma_wait3A_129 = arith.constant 0 : i32
            %dma_wait3A_130 = tpu.memref_slice %arg6[%run_scoped3A_104, %dma_wait3A_129] : memref<2x128xi32, #tpu.memory_space<vmem>> -> memref<1x128xi32, #tpu.memory_space<vmem>>
            %dma_wait3A_131 = tpu.memref_squeeze %dma_wait3A_130 : memref<1x128xi32, #tpu.memory_space<vmem>> -> memref<128xi32, #tpu.memory_space<vmem>>
            %dma_wait3A_132 = tpu.memref_slice %arg2[%add3A_103, %mul3A_2] : memref<200x4096xi32, #tpu.memory_space<hbm>> -> memref<1x128xi32, #tpu.memory_space<hbm>>
            %dma_wait3A_133 = tpu.memref_squeeze %dma_wait3A_132 : memref<1x128xi32, #tpu.memory_space<hbm>> -> memref<128xi32, #tpu.memory_space<hbm>>
            %dma_wait3A_134 = arith.constant 0 : i32
            %dma_wait3A_135 = tpu.memref_slice %arg6[%run_scoped3A_104, %dma_wait3A_134] : memref<2x128xi32, #tpu.memory_space<vmem>> -> memref<1x128xi32, #tpu.memory_space<vmem>>
            %dma_wait3A_136 = tpu.memref_squeeze %dma_wait3A_135 : memref<1x128xi32, #tpu.memory_space<vmem>> -> memref<128xi32, #tpu.memory_space<vmem>>
            %dma_wait3A_137 = tpu.memref_slice %arg2[%add3A_103, %mul3A_2] : memref<200x4096xi32, #tpu.memory_space<hbm>> -> memref<1x128xi32, #tpu.memory_space<hbm>>
            %dma_wait3A_138 = tpu.memref_squeeze %dma_wait3A_137 : memref<1x128xi32, #tpu.memory_space<hbm>> -> memref<128xi32, #tpu.memory_space<hbm>>
            tpu.wait_dma2 semaphore(%run_scoped3A_118 : memref<!tpu.dma_semaphore, #tpu.memory_space<semaphore_mem>>) src(%dma_wait3A_138 : memref<128xi32, #tpu.memory_space<hbm>>) dst(%dma_wait3A_136 : memref<128xi32, #tpu.memory_space<vmem>>)
            tpu.yield
          }) : () -> ()
          %parallel_loop3A_105 = arith.constant 0 : i32
          %parallel_loop3A_106 = arith.constant 8 : i32
          %parallel_loop3A_107 = arith.constant 1 : i32
          scf.for %parallel_loop3A_118 = %parallel_loop3A_105 to %parallel_loop3A_106 step %parallel_loop3A_107  : i32 {
            %parallel_loop3A_119 = arith.constant 16 : i32
            %parallel_loop3A_120 = arith.muli %parallel_loop3A_118, %parallel_loop3A_119 : i32
            %parallel_loop3A_121 = arith.constant 1 : i32
            %parallel_loop3A_122 = arith.index_cast %parallel_loop3A_121 : i32 to index
            %parallel_loop3A_123 = arith.index_cast %parallel_loop3A_120 : i32 to index
            %parallel_loop3A_124 = tpu.vector_load %arg6[%parallel_loop3A_122, %parallel_loop3A_123] {strides = array<i32>} : memref<2x128xi32, #tpu.memory_space<vmem>>, vector<16xi32>,
            %parallel_loop3A_125 = arith.constant 2 : i32
            %parallel_loop3A_126 = vector.broadcast %parallel_loop3A_125 : i32 to vector<16xi32>
            %parallel_loop3A_127 = arith.muli %parallel_loop3A_124, %parallel_loop3A_126 : vector<16xi32>
            %parallel_loop3A_128 = arith.constant 1 : i32
            %parallel_loop3A_129 = arith.index_cast %parallel_loop3A_128 : i32 to index
            %parallel_loop3A_130 = arith.index_cast %parallel_loop3A_120 : i32 to index
            %parallel_loop3A_131 = tpu.vector_load %arg6[%parallel_loop3A_129, %parallel_loop3A_130] {strides = array<i32>} : memref<2x128xi32, #tpu.memory_space<vmem>>, vector<16xi32>,
            tpu.vector_store %arg6[%parallel_loop3A_129, %parallel_loop3A_130], %parallel_loop3A_127 {strides = array<i32>} : memref<2x128xi32, #tpu.memory_space<vmem>>, vector<16xi32>,
          } {sc.loop_unroll_factor = 4 : i64, sc.parallel_access}
          %dma_start3A_108 = arith.constant 1 : i32
          %dma_start3A_109 = arith.constant 1 : i32
          %dma_start3A_110 = arith.constant 0 : i32
          %dma_start3A_111 = tpu.memref_slice %arg6[%dma_start3A_108, %dma_start3A_110] : memref<2x128xi32, #tpu.memory_space<vmem>> -> memref<1x128xi32, #tpu.memory_space<vmem>>
          %dma_start3A_112 = tpu.memref_squeeze %dma_start3A_111 : memref<1x128xi32, #tpu.memory_space<vmem>> -> memref<128xi32, #tpu.memory_space<vmem>>
          %dma_start3A_113 = arith.constant 0 : i32
          %dma_start3A_114 = arith.constant 0 : i32
          %dma_start3A_115 = tpu.memref_slice %arg3[%dma_start3A_113, %dma_start3A_114] : memref<2000000x64xf32, #tpu.memory_space<hbm>> -> memref<2000000x64xf32, #tpu.memory_space<hbm>>
          %dma_start3A_116 = tpu.memref_slice %arg12[%dma_start3A_109] : memref<2x!tpu.dma_semaphore, #tpu.memory_space<semaphore_mem>> -> memref<1x!tpu.dma_semaphore, #tpu.memory_space<semaphore_mem>>
          %dma_start3A_117 = tpu.memref_squeeze %dma_start3A_116 : memref<1x!tpu.dma_semaphore, #tpu.memory_space<semaphore_mem>> -> memref<!tpu.dma_semaphore, #tpu.memory_space<semaphore_mem>>
          tpu.enqueue_indirect_dma source(%dma_start3A_115 : memref<2000000x64xf32, #tpu.memory_space<hbm>>) target(%arg8 : memref<128x64xf32, #tpu.memory_space<vmem>>) offsets(%dma_start3A_112 : memref<128xi32, #tpu.memory_space<vmem>>) semaphore(%dma_start3A_117 : memref<!tpu.dma_semaphore, #tpu.memory_space<semaphore_mem>>)
        } else {
        }
        %eq3A_97 = arith.constant 1 : i32
        %eq3A_98 = arith.cmpi eq, %rem3A_73, %eq3A_97 : i32
        %convert_element_type3A_99 = arith.extui %eq3A_98 : i1 to i32
        %cond3A_100 = arith.constant 0 : i32
        %cond3A_101 = arith.cmpi ne, %convert_element_type3A_99, %cond3A_100 : i32
        scf.if %cond3A_101 {
          %add3A_102 = arith.constant 1 : i32
          %add3A_103 = arith.addi %scan3A_72, %add3A_102 : i32
          %run_scoped3A_104 = arith.constant 0 : i32
          "tpu.region"() ({
            %run_scoped3A_118 = tpu.sem_alloc : memref<!tpu.dma_semaphore, #tpu.memory_space<semaphore_mem>>
            %dma_start3A_119 = arith.constant 0 : i32
            %dma_start3A_120 = tpu.memref_slice %arg6[%run_scoped3A_104, %dma_start3A_119] : memref<2x128xi32, #tpu.memory_space<vmem>> -> memref<1x128xi32, #tpu.memory_space<vmem>>
            %dma_start3A_121 = tpu.memref_squeeze %dma_start3A_120 : memref<1x128xi32, #tpu.memory_space<vmem>> -> memref<128xi32, #tpu.memory_space<vmem>>
            %dma_start3A_122 = tpu.memref_slice %arg2[%add3A_103, %mul3A_2] : memref<200x4096xi32, #tpu.memory_space<hbm>> -> memref<1x128xi32, #tpu.memory_space<hbm>>
            %dma_start3A_123 = tpu.memref_squeeze %dma_start3A_122 : memref<1x128xi32, #tpu.memory_space<hbm>> -> memref<128xi32, #tpu.memory_space<hbm>>
            %dma_start3A_124 = arith.constant 0 : i32
            %dma_start3A_125 = tpu.memref_slice %arg6[%run_scoped3A_104, %dma_start3A_124] : memref<2x128xi32, #tpu.memory_space<vmem>> -> memref<1x128xi32, #tpu.memory_space<vmem>>
            %dma_start3A_126 = tpu.memref_squeeze %dma_start3A_125 : memref<1x128xi32, #tpu.memory_space<vmem>> -> memref<128xi32, #tpu.memory_space<vmem>>
            %dma_start3A_127 = tpu.memref_slice %arg2[%add3A_103, %mul3A_2] : memref<200x4096xi32, #tpu.memory_space<hbm>> -> memref<1x128xi32, #tpu.memory_space<hbm>>
            %dma_start3A_128 = tpu.memref_squeeze %dma_start3A_127 : memref<1x128xi32, #tpu.memory_space<hbm>> -> memref<128xi32, #tpu.memory_space<hbm>>
            tpu.enqueue_dma source(%dma_start3A_128 : memref<128xi32, #tpu.memory_space<hbm>>) target(%dma_start3A_126 : memref<128xi32, #tpu.memory_space<vmem>>) target_semaphore(%run_scoped3A_118 : memref<!tpu.dma_semaphore, #tpu.memory_space<semaphore_mem>>)
            %dma_wait3A_129 = arith.constant 0 : i32
            %dma_wait3A_130 = tpu.memref_slice %arg6[%run_scoped3A_104, %dma_wait3A_129] : memref<2x128xi32, #tpu.memory_space<vmem>> -> memref<1x128xi32, #tpu.memory_space<vmem>>
            %dma_wait3A_131 = tpu.memref_squeeze %dma_wait3A_130 : memref<1x128xi32, #tpu.memory_space<vmem>> -> memref<128xi32, #tpu.memory_space<vmem>>
            %dma_wait3A_132 = tpu.memref_slice %arg2[%add3A_103, %mul3A_2] : memref<200x4096xi32, #tpu.memory_space<hbm>> -> memref<1x128xi32, #tpu.memory_space<hbm>>
            %dma_wait3A_133 = tpu.memref_squeeze %dma_wait3A_132 : memref<1x128xi32, #tpu.memory_space<hbm>> -> memref<128xi32, #tpu.memory_space<hbm>>
            %dma_wait3A_134 = arith.constant 0 : i32
            %dma_wait3A_135 = tpu.memref_slice %arg6[%run_scoped3A_104, %dma_wait3A_134] : memref<2x128xi32, #tpu.memory_space<vmem>> -> memref<1x128xi32, #tpu.memory_space<vmem>>
            %dma_wait3A_136 = tpu.memref_squeeze %dma_wait3A_135 : memref<1x128xi32, #tpu.memory_space<vmem>> -> memref<128xi32, #tpu.memory_space<vmem>>
            %dma_wait3A_137 = tpu.memref_slice %arg2[%add3A_103, %mul3A_2] : memref<200x4096xi32, #tpu.memory_space<hbm>> -> memref<1x128xi32, #tpu.memory_space<hbm>>
            %dma_wait3A_138 = tpu.memref_squeeze %dma_wait3A_137 : memref<1x128xi32, #tpu.memory_space<hbm>> -> memref<128xi32, #tpu.memory_space<hbm>>
            tpu.wait_dma2 semaphore(%run_scoped3A_118 : memref<!tpu.dma_semaphore, #tpu.memory_space<semaphore_mem>>) src(%dma_wait3A_138 : memref<128xi32, #tpu.memory_space<hbm>>) dst(%dma_wait3A_136 : memref<128xi32, #tpu.memory_space<vmem>>)
            tpu.yield
          }) : () -> ()
          %parallel_loop3A_105 = arith.constant 0 : i32
          %parallel_loop3A_106 = arith.constant 8 : i32
          %parallel_loop3A_107 = arith.constant 1 : i32
          scf.for %parallel_loop3A_118 = %parallel_loop3A_105 to %parallel_loop3A_106 step %parallel_loop3A_107  : i32 {
            %parallel_loop3A_119 = arith.constant 16 : i32
            %parallel_loop3A_120 = arith.muli %parallel_loop3A_118, %parallel_loop3A_119 : i32
            %parallel_loop3A_121 = arith.constant 0 : i32
            %parallel_loop3A_122 = arith.index_cast %parallel_loop3A_121 : i32 to index
            %parallel_loop3A_123 = arith.index_cast %parallel_loop3A_120 : i32 to index
            %parallel_loop3A_124 = tpu.vector_load %arg6[%parallel_loop3A_122, %parallel_loop3A_123] {strides = array<i32>} : memref<2x128xi32, #tpu.memory_space<vmem>>, vector<16xi32>,
            %parallel_loop3A_125 = arith.constant 2 : i32
            %parallel_loop3A_126 = vector.broadcast %parallel_loop3A_125 : i32 to vector<16xi32>
            %parallel_loop3A_127 = arith.muli %parallel_loop3A_124, %parallel_loop3A_126 : vector<16xi32>
            %parallel_loop3A_128 = arith.constant 0 : i32
            %parallel_loop3A_129 = arith.index_cast %parallel_loop3A_128 : i32 to index
            %parallel_loop3A_130 = arith.index_cast %parallel_loop3A_120 : i32 to index
            %parallel_loop3A_131 = tpu.vector_load %arg6[%parallel_loop3A_129, %parallel_loop3A_130] {strides = array<i32>} : memref<2x128xi32, #tpu.memory_space<vmem>>, vector<16xi32>,
            tpu.vector_store %arg6[%parallel_loop3A_129, %parallel_loop3A_130], %parallel_loop3A_127 {strides = array<i32>} : memref<2x128xi32, #tpu.memory_space<vmem>>, vector<16xi32>,
          } {sc.loop_unroll_factor = 4 : i64, sc.parallel_access}
          %dma_start3A_108 = arith.constant 0 : i32
          %dma_start3A_109 = arith.constant 0 : i32
          %dma_start3A_110 = arith.constant 0 : i32
          %dma_start3A_111 = tpu.memref_slice %arg6[%dma_start3A_108, %dma_start3A_110] : memref<2x128xi32, #tpu.memory_space<vmem>> -> memref<1x128xi32, #tpu.memory_space<vmem>>
          %dma_start3A_112 = tpu.memref_squeeze %dma_start3A_111 : memref<1x128xi32, #tpu.memory_space<vmem>> -> memref<128xi32, #tpu.memory_space<vmem>>
          %dma_start3A_113 = arith.constant 0 : i32
          %dma_start3A_114 = arith.constant 0 : i32
          %dma_start3A_115 = tpu.memref_slice %arg3[%dma_start3A_113, %dma_start3A_114] : memref<2000000x64xf32, #tpu.memory_space<hbm>> -> memref<2000000x64xf32, #tpu.memory_space<hbm>>
          %dma_start3A_116 = tpu.memref_slice %arg12[%dma_start3A_109] : memref<2x!tpu.dma_semaphore, #tpu.memory_space<semaphore_mem>> -> memref<1x!tpu.dma_semaphore, #tpu.memory_space<semaphore_mem>>
          %dma_start3A_117 = tpu.memref_squeeze %dma_start3A_116 : memref<1x!tpu.dma_semaphore, #tpu.memory_space<semaphore_mem>> -> memref<!tpu.dma_semaphore, #tpu.memory_space<semaphore_mem>>
          tpu.enqueue_indirect_dma source(%dma_start3A_115 : memref<2000000x64xf32, #tpu.memory_space<hbm>>) target(%arg7 : memref<128x64xf32, #tpu.memory_space<vmem>>) offsets(%dma_start3A_112 : memref<128xi32, #tpu.memory_space<vmem>>) semaphore(%dma_start3A_117 : memref<!tpu.dma_semaphore, #tpu.memory_space<semaphore_mem>>)
        } else {
        }
      } else {
      }
      %eq3A = arith.constant 0 : i32
      %eq3A_79 = arith.cmpi eq, %rem3A_73, %eq3A : i32
      %convert_element_type3A_80 = arith.extui %eq3A_79 : i1 to i32
      %cond3A_81 = arith.constant 0 : i32
      %cond3A_82 = arith.cmpi ne, %convert_element_type3A_80, %cond3A_81 : i32
      scf.if %cond3A_82 {
        %dma_wait3A_88 = arith.constant 0 : i32
        %dma_wait3A_89 = arith.constant 0 : i32
        %dma_wait3A_90 = arith.constant 0 : i32
        %dma_wait3A_91 = tpu.memref_slice %arg6[%dma_wait3A_88, %dma_wait3A_90] : memref<2x128xi32, #tpu.memory_space<vmem>> -> memref<1x128xi32, #tpu.memory_space<vmem>>
        %dma_wait3A_92 = tpu.memref_squeeze %dma_wait3A_91 : memref<1x128xi32, #tpu.memory_space<vmem>> -> memref<128xi32, #tpu.memory_space<vmem>>
        %dma_wait3A_93 = arith.constant 0 : i32
        %dma_wait3A_94 = arith.constant 0 : i32
        %dma_wait3A_95 = tpu.memref_slice %arg3[%dma_wait3A_93, %dma_wait3A_94] : memref<2000000x64xf32, #tpu.memory_space<hbm>> -> memref<2000000x64xf32, #tpu.memory_space<hbm>>
        %dma_wait3A_96 = tpu.memref_slice %arg12[%dma_wait3A_89] : memref<2x!tpu.dma_semaphore, #tpu.memory_space<semaphore_mem>> -> memref<1x!tpu.dma_semaphore, #tpu.memory_space<semaphore_mem>>
        %dma_wait3A_97 = tpu.memref_squeeze %dma_wait3A_96 : memref<1x!tpu.dma_semaphore, #tpu.memory_space<semaphore_mem>> -> memref<!tpu.dma_semaphore, #tpu.memory_space<semaphore_mem>>
        tpu.wait_indirect_dma semaphore(%dma_wait3A_97 : memref<!tpu.dma_semaphore, #tpu.memory_space<semaphore_mem>>) src(%dma_wait3A_95 : memref<2000000x64xf32, #tpu.memory_space<hbm>>) dst(%arg7 : memref<128x64xf32, #tpu.memory_space<vmem>>)
        %get3A = arith.index_cast %scan3A_72 : i32 to index
        %get3A_98 = arith.constant 0 : index
        %get3A_99 = tpu.vector_load %arg11[%get3A, %get3A_98] {strides = array<i32>} : memref<200x64xf32, #tpu.memory_space<vmem>>, vector<16xf32>,
        %get3A_100 = arith.index_cast %scan3A_72 : i32 to index
        %get3A_101 = arith.constant 16 : index
        %get3A_102 = tpu.vector_load %arg11[%get3A_100, %get3A_101] {strides = array<i32>} : memref<200x64xf32, #tpu.memory_space<vmem>>, vector<16xf32>,
        %get3A_103 = arith.index_cast %scan3A_72 : i32 to index
        %get3A_104 = arith.constant 32 : index
        %get3A_105 = tpu.vector_load %arg11[%get3A_103, %get3A_104] {strides = array<i32>} : memref<200x64xf32, #tpu.memory_space<vmem>>, vector<16xf32>,
        %get3A_106 = arith.index_cast %scan3A_72 : i32 to index
        %get3A_107 = arith.constant 48 : index
        %get3A_108 = tpu.vector_load %arg11[%get3A_106, %get3A_107] {strides = array<i32>} : memref<200x64xf32, #tpu.memory_space<vmem>>, vector<16xf32>,
        %parallel_loop3A_109 = arith.constant 0 : i32
        %parallel_loop3A_110 = arith.constant 128 : i32
        %parallel_loop3A_111 = arith.constant 1 : i32
        scf.for %parallel_loop3A_139 = %parallel_loop3A_109 to %parallel_loop3A_110 step %parallel_loop3A_111  : i32 {
          %parallel_loop3A_140 = arith.constant 65 : i32
          %parallel_loop3A_141 = arith.muli %parallel_loop3A_139, %parallel_loop3A_140 : i32
          %parallel_loop3A_142 = arith.index_cast %parallel_loop3A_139 : i32 to index
          %parallel_loop3A_143 = arith.constant 0 : index
          %parallel_loop3A_144 = tpu.vector_load %arg7[%parallel_loop3A_142, %parallel_loop3A_143] {strides = array<i32>} : memref<128x64xf32, #tpu.memory_space<vmem>>, vector<16xf32>,
          %parallel_loop3A_145 = arith.addf %parallel_loop3A_144, %get3A_99 : vector<16xf32>
          %parallel_loop3A_146 = arith.constant 0 : i32
          %parallel_loop3A_147 = arith.addi %parallel_loop3A_141, %parallel_loop3A_146 : i32
          %parallel_loop3A_148 = arith.index_cast %parallel_loop3A_147 : i32 to index
          %parallel_loop3A_149 = tpu.vector_load %arg9[%parallel_loop3A_148] {strides = array<i32>} : memref<8320xf32, #tpu.memory_space<vmem>>, vector<16xf32>,
          tpu.vector_store %arg9[%parallel_loop3A_148], %parallel_loop3A_145 {strides = array<i32>} : memref<8320xf32, #tpu.memory_space<vmem>>, vector<16xf32>,
          %parallel_loop3A_150 = arith.index_cast %parallel_loop3A_139 : i32 to index
          %parallel_loop3A_151 = arith.constant 16 : index
          %parallel_loop3A_152 = tpu.vector_load %arg7[%parallel_loop3A_150, %parallel_loop3A_151] {strides = array<i32>} : memref<128x64xf32, #tpu.memory_space<vmem>>, vector<16xf32>,
          %parallel_loop3A_153 = arith.addf %parallel_loop3A_152, %get3A_102 : vector<16xf32>
          %parallel_loop3A_154 = arith.constant 16 : i32
          %parallel_loop3A_155 = arith.addi %parallel_loop3A_141, %parallel_loop3A_154 : i32
          %parallel_loop3A_156 = arith.index_cast %parallel_loop3A_155 : i32 to index
          %parallel_loop3A_157 = tpu.vector_load %arg9[%parallel_loop3A_156] {strides = array<i32>} : memref<8320xf32, #tpu.memory_space<vmem>>, vector<16xf32>,
          tpu.vector_store %arg9[%parallel_loop3A_156], %parallel_loop3A_153 {strides = array<i32>} : memref<8320xf32, #tpu.memory_space<vmem>>, vector<16xf32>,
          %parallel_loop3A_158 = arith.index_cast %parallel_loop3A_139 : i32 to index
          %parallel_loop3A_159 = arith.constant 32 : index
          %parallel_loop3A_160 = tpu.vector_load %arg7[%parallel_loop3A_158, %parallel_loop3A_159] {strides = array<i32>} : memref<128x64xf32, #tpu.memory_space<vmem>>, vector<16xf32>,
          %parallel_loop3A_161 = arith.addf %parallel_loop3A_160, %get3A_105 : vector<16xf32>
          %parallel_loop3A_162 = arith.constant 32 : i32
          %parallel_loop3A_163 = arith.addi %parallel_loop3A_141, %parallel_loop3A_162 : i32
          %parallel_loop3A_164 = arith.index_cast %parallel_loop3A_163 : i32 to index
          %parallel_loop3A_165 = tpu.vector_load %arg9[%parallel_loop3A_164] {strides = array<i32>} : memref<8320xf32, #tpu.memory_space<vmem>>, vector<16xf32>,
          tpu.vector_store %arg9[%parallel_loop3A_164], %parallel_loop3A_161 {strides = array<i32>} : memref<8320xf32, #tpu.memory_space<vmem>>, vector<16xf32>,
          %parallel_loop3A_166 = arith.index_cast %parallel_loop3A_139 : i32 to index
          %parallel_loop3A_167 = arith.constant 48 : index
          %parallel_loop3A_168 = tpu.vector_load %arg7[%parallel_loop3A_166, %parallel_loop3A_167] {strides = array<i32>} : memref<128x64xf32, #tpu.memory_space<vmem>>, vector<16xf32>,
          %parallel_loop3A_169 = arith.addf %parallel_loop3A_168, %get3A_108 : vector<16xf32>
          %parallel_loop3A_170 = arith.constant 48 : i32
          %parallel_loop3A_171 = arith.addi %parallel_loop3A_141, %parallel_loop3A_170 : i32
          %parallel_loop3A_172 = arith.index_cast %parallel_loop3A_171 : i32 to index
          %parallel_loop3A_173 = tpu.vector_load %arg9[%parallel_loop3A_172] {strides = array<i32>} : memref<8320xf32, #tpu.memory_space<vmem>>, vector<16xf32>,
          tpu.vector_store %arg9[%parallel_loop3A_172], %parallel_loop3A_169 {strides = array<i32>} : memref<8320xf32, #tpu.memory_space<vmem>>, vector<16xf32>,
        } {sc.loop_unroll_factor = 4 : i64, sc.parallel_access}
        %parallel_loop3A_112 = arith.constant 0 : i32
        %parallel_loop3A_113 = arith.constant 512 : i32
        %parallel_loop3A_114 = arith.constant 1 : i32
        scf.for %parallel_loop3A_139 = %parallel_loop3A_112 to %parallel_loop3A_113 step %parallel_loop3A_114  : i32 {
          %parallel_loop3A_140 = arith.constant 8 : i32
          %parallel_loop3A_141 = arith.divsi %parallel_loop3A_139, %parallel_loop3A_140 : i32
          %parallel_loop3A_142 = arith.constant 0 : i32
          %parallel_loop3A_143 = arith.cmpi sgt, %parallel_loop3A_139, %parallel_loop3A_142 : i32
          %parallel_loop3A_144 = arith.extui %parallel_loop3A_143 : i1 to i32
          %parallel_loop3A_145 = arith.constant 0 : i32
          %parallel_loop3A_146 = arith.cmpi slt, %parallel_loop3A_139, %parallel_loop3A_145 : i32
          %parallel_loop3A_147 = arith.extui %parallel_loop3A_146 : i1 to i32
          %parallel_loop3A_148 = arith.subi %parallel_loop3A_144, %parallel_loop3A_147 : i32
          %parallel_loop3A_149 = arith.constant 0 : i32
          %parallel_loop3A_150 = arith.cmpi sgt, %parallel_loop3A_140, %parallel_loop3A_149 : i32
          %parallel_loop3A_151 = arith.extui %parallel_loop3A_150 : i1 to i32
          %parallel_loop3A_152 = arith.constant 0 : i32
          %parallel_loop3A_153 = arith.cmpi slt, %parallel_loop3A_140, %parallel_loop3A_152 : i32
          %parallel_loop3A_154 = arith.extui %parallel_loop3A_153 : i1 to i32
          %parallel_loop3A_155 = arith.subi %parallel_loop3A_151, %parallel_loop3A_154 : i32
          %parallel_loop3A_156 = arith.cmpi ne, %parallel_loop3A_148, %parallel_loop3A_155 : i32
          %parallel_loop3A_157 = arith.remsi %parallel_loop3A_139, %parallel_loop3A_140 : i32
          %parallel_loop3A_158 = arith.constant 0 : i32
          %parallel_loop3A_159 = arith.cmpi ne, %parallel_loop3A_157, %parallel_loop3A_158 : i32
          %parallel_loop3A_160 = arith.andi %parallel_loop3A_156, %parallel_loop3A_159 : i1
          %parallel_loop3A_161 = arith.constant 1 : i32
          %parallel_loop3A_162 = arith.subi %parallel_loop3A_141, %parallel_loop3A_161 : i32
          %parallel_loop3A_163 = arith.select %parallel_loop3A_160, %parallel_loop3A_162, %parallel_loop3A_141 : i32
          %parallel_loop3A_164 = arith.constant 8 : i32
          %parallel_loop3A_165 = arith.muli %parallel_loop3A_163, %parallel_loop3A_164 : i32
          %parallel_loop3A_166 = arith.subi %parallel_loop3A_139, %parallel_loop3A_165 : i32
          %parallel_loop3A_167 = arith.constant 16 : i32
          %parallel_loop3A_168 = arith.muli %parallel_loop3A_166, %parallel_loop3A_167 : i32
          %parallel_loop3A_169 = arith.constant 65 : i32
          %parallel_loop3A_170 = arith.muli %parallel_loop3A_168, %parallel_loop3A_169 : i32
          %parallel_loop3A_171 = arith.addi %parallel_loop3A_170, %parallel_loop3A_163 : i32
          %parallel_loop3A_172 = vector.broadcast %parallel_loop3A_171 : i32 to vector<16xi32>
          %parallel_loop3A_173 = arith.addi %mul3A_5, %parallel_loop3A_172 : vector<16xi32>
          %parallel_loop3A_174 = tpu.vector_load_idx %arg9[%parallel_loop3A_173] : memref<8320xf32, #tpu.memory_space<vmem>>[vector<16xi32>], vector<16xf32>,
          %parallel_loop3A_175 = arith.constant 8 : i32
          %parallel_loop3A_176 = arith.divsi %parallel_loop3A_163, %parallel_loop3A_175 : i32
          %parallel_loop3A_177 = arith.constant 0 : i32
          %parallel_loop3A_178 = arith.cmpi sgt, %parallel_loop3A_163, %parallel_loop3A_177 : i32
          %parallel_loop3A_179 = arith.extui %parallel_loop3A_178 : i1 to i32
          %parallel_loop3A_180 = arith.constant 0 : i32
          %parallel_loop3A_181 = arith.cmpi slt, %parallel_loop3A_163, %parallel_loop3A_180 : i32
          %parallel_loop3A_182 = arith.extui %parallel_loop3A_181 : i1 to i32
          %parallel_loop3A_183 = arith.subi %parallel_loop3A_179, %parallel_loop3A_182 : i32
          %parallel_loop3A_184 = arith.constant 0 : i32
          %parallel_loop3A_185 = arith.cmpi sgt, %parallel_loop3A_175, %parallel_loop3A_184 : i32
          %parallel_loop3A_186 = arith.extui %parallel_loop3A_185 : i1 to i32
          %parallel_loop3A_187 = arith.constant 0 : i32
          %parallel_loop3A_188 = arith.cmpi slt, %parallel_loop3A_175, %parallel_loop3A_187 : i32
          %parallel_loop3A_189 = arith.extui %parallel_loop3A_188 : i1 to i32
          %parallel_loop3A_190 = arith.subi %parallel_loop3A_186, %parallel_loop3A_189 : i32
          %parallel_loop3A_191 = arith.cmpi ne, %parallel_loop3A_183, %parallel_loop3A_190 : i32
          %parallel_loop3A_192 = arith.remsi %parallel_loop3A_163, %parallel_loop3A_175 : i32
          %parallel_loop3A_193 = arith.constant 0 : i32
          %parallel_loop3A_194 = arith.cmpi ne, %parallel_loop3A_192, %parallel_loop3A_193 : i32
          %parallel_loop3A_195 = arith.andi %parallel_loop3A_191, %parallel_loop3A_194 : i1
          %parallel_loop3A_196 = arith.constant 1 : i32
          %parallel_loop3A_197 = arith.subi %parallel_loop3A_176, %parallel_loop3A_196 : i32
          %parallel_loop3A_198 = arith.select %parallel_loop3A_195, %parallel_loop3A_197, %parallel_loop3A_176 : i32
          %parallel_loop3A_199 = arith.constant 8 : i32
          %parallel_loop3A_200 = arith.constant 0 : i32
          %parallel_loop3A_201 = arith.cmpi eq, %parallel_loop3A_199, %parallel_loop3A_200 : i32
          %parallel_loop3A_202 = arith.constant 1 : i32
          %parallel_loop3A_203 = arith.select %parallel_loop3A_201, %parallel_loop3A_202, %parallel_loop3A_199 : i32
          %parallel_loop3A_204 = arith.remsi %parallel_loop3A_163, %parallel_loop3A_203 : i32
          %parallel_loop3A_205 = arith.constant 0 : i32
          %parallel_loop3A_206 = arith.cmpi ne, %parallel_loop3A_204, %parallel_loop3A_205 : i32
          %parallel_loop3A_207 = arith.constant 0 : i32
          %parallel_loop3A_208 = arith.cmpi slt, %parallel_loop3A_204, %parallel_loop3A_207 : i32
          %parallel_loop3A_209 = arith.constant 0 : i32
          %parallel_loop3A_210 = arith.cmpi slt, %parallel_loop3A_203, %parallel_loop3A_209 : i32
          %parallel_loop3A_211 = arith.xori %parallel_loop3A_208, %parallel_loop3A_210 : i1
          %parallel_loop3A_212 = arith.andi %parallel_loop3A_211, %parallel_loop3A_206 : i1
          %parallel_loop3A_213 = arith.addi %parallel_loop3A_204, %parallel_loop3A_203 : i32
          %parallel_loop3A_214 = arith.select %parallel_loop3A_212, %parallel_loop3A_213, %parallel_loop3A_204 : i32
          %parallel_loop3A_215 = arith.constant 16 : i32
          %parallel_loop3A_216 = arith.muli %parallel_loop3A_166, %parallel_loop3A_215 : i32
          %parallel_loop3A_217 = arith.constant 0 : i32
          %parallel_loop3A_218 = arith.index_cast %parallel_loop3A_217 : i32 to index
          %parallel_loop3A_219 = arith.index_cast %parallel_loop3A_198 : i32 to index
          %parallel_loop3A_220 = arith.index_cast %parallel_loop3A_214 : i32 to index
          %parallel_loop3A_221 = arith.index_cast %parallel_loop3A_216 : i32 to index
          %parallel_loop3A_222 = tpu.vector_load %arg10[%parallel_loop3A_218, %parallel_loop3A_219, %parallel_loop3A_220, %parallel_loop3A_221] {strides = array<i32>} : memref<2x8x8x128xf32, #tpu.memory_space<vmem>>, vector<16xf32>,
          tpu.vector_store %arg10[%parallel_loop3A_218, %parallel_loop3A_219, %parallel_loop3A_220, %parallel_loop3A_221], %parallel_loop3A_174 {strides = array<i32>} : memref<2x8x8x128xf32, #tpu.memory_space<vmem>>, vector<16xf32>,
        } {sc.loop_unroll_factor = 8 : i64, sc.parallel_access}
        %dma_start3A_115 = arith.constant 0 : i32
        %dma_start3A_116 = arith.constant 0 : i32
        %dma_start3A_117 = arith.constant 0 : i32
        %dma_start3A_118 = arith.constant 0 : i32
        %dma_start3A_119 = arith.constant 0 : i32
        %dma_start3A_120 = tpu.memref_slice %arg10[%dma_start3A_115, %dma_start3A_117, %dma_start3A_118, %dma_start3A_119] : memref<2x8x8x128xf32, #tpu.memory_space<vmem>> -> memref<1x8x8x128xf32, #tpu.memory_space<vmem>>
        %dma_start3A_121 = tpu.memref_squeeze %dma_start3A_120 : memref<1x8x8x128xf32, #tpu.memory_space<vmem>> -> memref<8x8x128xf32, #tpu.memory_space<vmem>>
        %dma_start3A_122 = arith.constant 0 : i32
        %dma_start3A_123 = arith.constant 0 : i32
        %dma_start3A_124 = arith.constant 0 : i32
        %dma_start3A_125 = tpu.memref_slice %arg5[%scan3A_72, %dma_start3A_122, %add3A, %dma_start3A_123, %dma_start3A_124] : memref<200x8x32x8x128xf32, #tpu.memory_space<hbm>> -> memref<1x8x1x8x128xf32, #tpu.memory_space<hbm>>
        %dma_start3A_126 = tpu.memref_squeeze %dma_start3A_125 : memref<1x8x1x8x128xf32, #tpu.memory_space<hbm>> -> memref<8x8x128xf32, #tpu.memory_space<hbm>>
        %dma_start3A_127 = tpu.memref_slice %arg13[%dma_start3A_116] : memref<2x!tpu.dma_semaphore, #tpu.memory_space<semaphore_mem>> -> memref<1x!tpu.dma_semaphore, #tpu.memory_space<semaphore_mem>>
        %dma_start3A_128 = tpu.memref_squeeze %dma_start3A_127 : memref<1x!tpu.dma_semaphore, #tpu.memory_space<semaphore_mem>> -> memref<!tpu.dma_semaphore, #tpu.memory_space<semaphore_mem>>
        %dma_start3A_129 = arith.constant 0 : i32
        %dma_start3A_130 = arith.constant 0 : i32
        %dma_start3A_131 = arith.constant 0 : i32
        %dma_start3A_132 = tpu.memref_slice %arg5[%scan3A_72, %dma_start3A_129, %add3A, %dma_start3A_130, %dma_start3A_131] : memref<200x8x32x8x128xf32, #tpu.memory_space<hbm>> -> memref<1x8x1x8x128xf32, #tpu.memory_space<hbm>>
        %dma_start3A_133 = tpu.memref_squeeze %dma_start3A_132 : memref<1x8x1x8x128xf32, #tpu.memory_space<hbm>> -> memref<8x8x128xf32, #tpu.memory_space<hbm>>
        %dma_start3A_134 = arith.constant 0 : i32
        %dma_start3A_135 = arith.constant 0 : i32
        %dma_start3A_136 = arith.constant 0 : i32
        %dma_start3A_137 = tpu.memref_slice %arg10[%dma_start3A_115, %dma_start3A_134, %dma_start3A_135, %dma_start3A_136] : memref<2x8x8x128xf32, #tpu.memory_space<vmem>> -> memref<1x8x8x128xf32, #tpu.memory_space<vmem>>
        %dma_start3A_138 = tpu.memref_squeeze %dma_start3A_137 : memref<1x8x8x128xf32, #tpu.memory_space<vmem>> -> memref<8x8x128xf32, #tpu.memory_space<vmem>>
        tpu.enqueue_dma source(%dma_start3A_138 : memref<8x8x128xf32, #tpu.memory_space<vmem>>) target(%dma_start3A_133 : memref<8x8x128xf32, #tpu.memory_space<hbm>>) target_semaphore(%dma_start3A_128 : memref<!tpu.dma_semaphore, #tpu.memory_space<semaphore_mem>>)
      } else {
      }
      %eq3A_83 = arith.constant 1 : i32
      %eq3A_84 = arith.cmpi eq, %rem3A_73, %eq3A_83 : i32
      %convert_element_type3A_85 = arith.extui %eq3A_84 : i1 to i32
      %cond3A_86 = arith.constant 0 : i32
      %cond3A_87 = arith.cmpi ne, %convert_element_type3A_85, %cond3A_86 : i32
      scf.if %cond3A_87 {
        %dma_wait3A_88 = arith.constant 1 : i32
        %dma_wait3A_89 = arith.constant 1 : i32
        %dma_wait3A_90 = arith.constant 0 : i32
        %dma_wait3A_91 = tpu.memref_slice %arg6[%dma_wait3A_88, %dma_wait3A_90] : memref<2x128xi32, #tpu.memory_space<vmem>> -> memref<1x128xi32, #tpu.memory_space<vmem>>
        %dma_wait3A_92 = tpu.memref_squeeze %dma_wait3A_91 : memref<1x128xi32, #tpu.memory_space<vmem>> -> memref<128xi32, #tpu.memory_space<vmem>>
        %dma_wait3A_93 = arith.constant 0 : i32
        %dma_wait3A_94 = arith.constant 0 : i32
        %dma_wait3A_95 = tpu.memref_slice %arg3[%dma_wait3A_93, %dma_wait3A_94] : memref<2000000x64xf32, #tpu.memory_space<hbm>> -> memref<2000000x64xf32, #tpu.memory_space<hbm>>
        %dma_wait3A_96 = tpu.memref_slice %arg12[%dma_wait3A_89] : memref<2x!tpu.dma_semaphore, #tpu.memory_space<semaphore_mem>> -> memref<1x!tpu.dma_semaphore, #tpu.memory_space<semaphore_mem>>
        %dma_wait3A_97 = tpu.memref_squeeze %dma_wait3A_96 : memref<1x!tpu.dma_semaphore, #tpu.memory_space<semaphore_mem>> -> memref<!tpu.dma_semaphore, #tpu.memory_space<semaphore_mem>>
        tpu.wait_indirect_dma semaphore(%dma_wait3A_97 : memref<!tpu.dma_semaphore, #tpu.memory_space<semaphore_mem>>) src(%dma_wait3A_95 : memref<2000000x64xf32, #tpu.memory_space<hbm>>) dst(%arg8 : memref<128x64xf32, #tpu.memory_space<vmem>>)
        %get3A = arith.index_cast %scan3A_72 : i32 to index
        %get3A_98 = arith.constant 0 : index
        %get3A_99 = tpu.vector_load %arg11[%get3A, %get3A_98] {strides = array<i32>} : memref<200x64xf32, #tpu.memory_space<vmem>>, vector<16xf32>,
        %get3A_100 = arith.index_cast %scan3A_72 : i32 to index
        %get3A_101 = arith.constant 16 : index
        %get3A_102 = tpu.vector_load %arg11[%get3A_100, %get3A_101] {strides = array<i32>} : memref<200x64xf32, #tpu.memory_space<vmem>>, vector<16xf32>,
        %get3A_103 = arith.index_cast %scan3A_72 : i32 to index
        %get3A_104 = arith.constant 32 : index
        %get3A_105 = tpu.vector_load %arg11[%get3A_103, %get3A_104] {strides = array<i32>} : memref<200x64xf32, #tpu.memory_space<vmem>>, vector<16xf32>,
        %get3A_106 = arith.index_cast %scan3A_72 : i32 to index
        %get3A_107 = arith.constant 48 : index
        %get3A_108 = tpu.vector_load %arg11[%get3A_106, %get3A_107] {strides = array<i32>} : memref<200x64xf32, #tpu.memory_space<vmem>>, vector<16xf32>,
        %parallel_loop3A_109 = arith.constant 0 : i32
        %parallel_loop3A_110 = arith.constant 128 : i32
        %parallel_loop3A_111 = arith.constant 1 : i32
        scf.for %parallel_loop3A_139 = %parallel_loop3A_109 to %parallel_loop3A_110 step %parallel_loop3A_111  : i32 {
          %parallel_loop3A_140 = arith.constant 65 : i32
          %parallel_loop3A_141 = arith.muli %parallel_loop3A_139, %parallel_loop3A_140 : i32
          %parallel_loop3A_142 = arith.index_cast %parallel_loop3A_139 : i32 to index
          %parallel_loop3A_143 = arith.constant 0 : index
          %parallel_loop3A_144 = tpu.vector_load %arg8[%parallel_loop3A_142, %parallel_loop3A_143] {strides = array<i32>} : memref<128x64xf32, #tpu.memory_space<vmem>>, vector<16xf32>,
          %parallel_loop3A_145 = arith.addf %parallel_loop3A_144, %get3A_99 : vector<16xf32>
          %parallel_loop3A_146 = arith.constant 0 : i32
          %parallel_loop3A_147 = arith.addi %parallel_loop3A_141, %parallel_loop3A_146 : i32
          %parallel_loop3A_148 = arith.index_cast %parallel_loop3A_147 : i32 to index
          %parallel_loop3A_149 = tpu.vector_load %arg9[%parallel_loop3A_148] {strides = array<i32>} : memref<8320xf32, #tpu.memory_space<vmem>>, vector<16xf32>,
          tpu.vector_store %arg9[%parallel_loop3A_148], %parallel_loop3A_145 {strides = array<i32>} : memref<8320xf32, #tpu.memory_space<vmem>>, vector<16xf32>,
          %parallel_loop3A_150 = arith.index_cast %parallel_loop3A_139 : i32 to index
          %parallel_loop3A_151 = arith.constant 16 : index
          %parallel_loop3A_152 = tpu.vector_load %arg8[%parallel_loop3A_150, %parallel_loop3A_151] {strides = array<i32>} : memref<128x64xf32, #tpu.memory_space<vmem>>, vector<16xf32>,
          %parallel_loop3A_153 = arith.addf %parallel_loop3A_152, %get3A_102 : vector<16xf32>
          %parallel_loop3A_154 = arith.constant 16 : i32
          %parallel_loop3A_155 = arith.addi %parallel_loop3A_141, %parallel_loop3A_154 : i32
          %parallel_loop3A_156 = arith.index_cast %parallel_loop3A_155 : i32 to index
          %parallel_loop3A_157 = tpu.vector_load %arg9[%parallel_loop3A_156] {strides = array<i32>} : memref<8320xf32, #tpu.memory_space<vmem>>, vector<16xf32>,
          tpu.vector_store %arg9[%parallel_loop3A_156], %parallel_loop3A_153 {strides = array<i32>} : memref<8320xf32, #tpu.memory_space<vmem>>, vector<16xf32>,
          %parallel_loop3A_158 = arith.index_cast %parallel_loop3A_139 : i32 to index
          %parallel_loop3A_159 = arith.constant 32 : index
          %parallel_loop3A_160 = tpu.vector_load %arg8[%parallel_loop3A_158, %parallel_loop3A_159] {strides = array<i32>} : memref<128x64xf32, #tpu.memory_space<vmem>>, vector<16xf32>,
          %parallel_loop3A_161 = arith.addf %parallel_loop3A_160, %get3A_105 : vector<16xf32>
          %parallel_loop3A_162 = arith.constant 32 : i32
          %parallel_loop3A_163 = arith.addi %parallel_loop3A_141, %parallel_loop3A_162 : i32
          %parallel_loop3A_164 = arith.index_cast %parallel_loop3A_163 : i32 to index
          %parallel_loop3A_165 = tpu.vector_load %arg9[%parallel_loop3A_164] {strides = array<i32>} : memref<8320xf32, #tpu.memory_space<vmem>>, vector<16xf32>,
          tpu.vector_store %arg9[%parallel_loop3A_164], %parallel_loop3A_161 {strides = array<i32>} : memref<8320xf32, #tpu.memory_space<vmem>>, vector<16xf32>,
          %parallel_loop3A_166 = arith.index_cast %parallel_loop3A_139 : i32 to index
          %parallel_loop3A_167 = arith.constant 48 : index
          %parallel_loop3A_168 = tpu.vector_load %arg8[%parallel_loop3A_166, %parallel_loop3A_167] {strides = array<i32>} : memref<128x64xf32, #tpu.memory_space<vmem>>, vector<16xf32>,
          %parallel_loop3A_169 = arith.addf %parallel_loop3A_168, %get3A_108 : vector<16xf32>
          %parallel_loop3A_170 = arith.constant 48 : i32
          %parallel_loop3A_171 = arith.addi %parallel_loop3A_141, %parallel_loop3A_170 : i32
          %parallel_loop3A_172 = arith.index_cast %parallel_loop3A_171 : i32 to index
          %parallel_loop3A_173 = tpu.vector_load %arg9[%parallel_loop3A_172] {strides = array<i32>} : memref<8320xf32, #tpu.memory_space<vmem>>, vector<16xf32>,
          tpu.vector_store %arg9[%parallel_loop3A_172], %parallel_loop3A_169 {strides = array<i32>} : memref<8320xf32, #tpu.memory_space<vmem>>, vector<16xf32>,
        } {sc.loop_unroll_factor = 4 : i64, sc.parallel_access}
        %parallel_loop3A_112 = arith.constant 0 : i32
        %parallel_loop3A_113 = arith.constant 512 : i32
        %parallel_loop3A_114 = arith.constant 1 : i32
        scf.for %parallel_loop3A_139 = %parallel_loop3A_112 to %parallel_loop3A_113 step %parallel_loop3A_114  : i32 {
          %parallel_loop3A_140 = arith.constant 8 : i32
          %parallel_loop3A_141 = arith.divsi %parallel_loop3A_139, %parallel_loop3A_140 : i32
          %parallel_loop3A_142 = arith.constant 0 : i32
          %parallel_loop3A_143 = arith.cmpi sgt, %parallel_loop3A_139, %parallel_loop3A_142 : i32
          %parallel_loop3A_144 = arith.extui %parallel_loop3A_143 : i1 to i32
          %parallel_loop3A_145 = arith.constant 0 : i32
          %parallel_loop3A_146 = arith.cmpi slt, %parallel_loop3A_139, %parallel_loop3A_145 : i32
          %parallel_loop3A_147 = arith.extui %parallel_loop3A_146 : i1 to i32
          %parallel_loop3A_148 = arith.subi %parallel_loop3A_144, %parallel_loop3A_147 : i32
          %parallel_loop3A_149 = arith.constant 0 : i32
          %parallel_loop3A_150 = arith.cmpi sgt, %parallel_loop3A_140, %parallel_loop3A_149 : i32
          %parallel_loop3A_151 = arith.extui %parallel_loop3A_150 : i1 to i32
          %parallel_loop3A_152 = arith.constant 0 : i32
          %parallel_loop3A_153 = arith.cmpi slt, %parallel_loop3A_140, %parallel_loop3A_152 : i32
          %parallel_loop3A_154 = arith.extui %parallel_loop3A_153 : i1 to i32
          %parallel_loop3A_155 = arith.subi %parallel_loop3A_151, %parallel_loop3A_154 : i32
          %parallel_loop3A_156 = arith.cmpi ne, %parallel_loop3A_148, %parallel_loop3A_155 : i32
          %parallel_loop3A_157 = arith.remsi %parallel_loop3A_139, %parallel_loop3A_140 : i32
          %parallel_loop3A_158 = arith.constant 0 : i32
          %parallel_loop3A_159 = arith.cmpi ne, %parallel_loop3A_157, %parallel_loop3A_158 : i32
          %parallel_loop3A_160 = arith.andi %parallel_loop3A_156, %parallel_loop3A_159 : i1
          %parallel_loop3A_161 = arith.constant 1 : i32
          %parallel_loop3A_162 = arith.subi %parallel_loop3A_141, %parallel_loop3A_161 : i32
          %parallel_loop3A_163 = arith.select %parallel_loop3A_160, %parallel_loop3A_162, %parallel_loop3A_141 : i32
          %parallel_loop3A_164 = arith.constant 8 : i32
          %parallel_loop3A_165 = arith.muli %parallel_loop3A_163, %parallel_loop3A_164 : i32
          %parallel_loop3A_166 = arith.subi %parallel_loop3A_139, %parallel_loop3A_165 : i32
          %parallel_loop3A_167 = arith.constant 16 : i32
          %parallel_loop3A_168 = arith.muli %parallel_loop3A_166, %parallel_loop3A_167 : i32
          %parallel_loop3A_169 = arith.constant 65 : i32
          %parallel_loop3A_170 = arith.muli %parallel_loop3A_168, %parallel_loop3A_169 : i32
          %parallel_loop3A_171 = arith.addi %parallel_loop3A_170, %parallel_loop3A_163 : i32
          %parallel_loop3A_172 = vector.broadcast %parallel_loop3A_171 : i32 to vector<16xi32>
          %parallel_loop3A_173 = arith.addi %mul3A_5, %parallel_loop3A_172 : vector<16xi32>
          %parallel_loop3A_174 = tpu.vector_load_idx %arg9[%parallel_loop3A_173] : memref<8320xf32, #tpu.memory_space<vmem>>[vector<16xi32>], vector<16xf32>,
          %parallel_loop3A_175 = arith.constant 8 : i32
          %parallel_loop3A_176 = arith.divsi %parallel_loop3A_163, %parallel_loop3A_175 : i32
          %parallel_loop3A_177 = arith.constant 0 : i32
          %parallel_loop3A_178 = arith.cmpi sgt, %parallel_loop3A_163, %parallel_loop3A_177 : i32
          %parallel_loop3A_179 = arith.extui %parallel_loop3A_178 : i1 to i32
          %parallel_loop3A_180 = arith.constant 0 : i32
          %parallel_loop3A_181 = arith.cmpi slt, %parallel_loop3A_163, %parallel_loop3A_180 : i32
          %parallel_loop3A_182 = arith.extui %parallel_loop3A_181 : i1 to i32
          %parallel_loop3A_183 = arith.subi %parallel_loop3A_179, %parallel_loop3A_182 : i32
          %parallel_loop3A_184 = arith.constant 0 : i32
          %parallel_loop3A_185 = arith.cmpi sgt, %parallel_loop3A_175, %parallel_loop3A_184 : i32
          %parallel_loop3A_186 = arith.extui %parallel_loop3A_185 : i1 to i32
          %parallel_loop3A_187 = arith.constant 0 : i32
          %parallel_loop3A_188 = arith.cmpi slt, %parallel_loop3A_175, %parallel_loop3A_187 : i32
          %parallel_loop3A_189 = arith.extui %parallel_loop3A_188 : i1 to i32
          %parallel_loop3A_190 = arith.subi %parallel_loop3A_186, %parallel_loop3A_189 : i32
          %parallel_loop3A_191 = arith.cmpi ne, %parallel_loop3A_183, %parallel_loop3A_190 : i32
          %parallel_loop3A_192 = arith.remsi %parallel_loop3A_163, %parallel_loop3A_175 : i32
          %parallel_loop3A_193 = arith.constant 0 : i32
          %parallel_loop3A_194 = arith.cmpi ne, %parallel_loop3A_192, %parallel_loop3A_193 : i32
          %parallel_loop3A_195 = arith.andi %parallel_loop3A_191, %parallel_loop3A_194 : i1
          %parallel_loop3A_196 = arith.constant 1 : i32
          %parallel_loop3A_197 = arith.subi %parallel_loop3A_176, %parallel_loop3A_196 : i32
          %parallel_loop3A_198 = arith.select %parallel_loop3A_195, %parallel_loop3A_197, %parallel_loop3A_176 : i32
          %parallel_loop3A_199 = arith.constant 8 : i32
          %parallel_loop3A_200 = arith.constant 0 : i32
          %parallel_loop3A_201 = arith.cmpi eq, %parallel_loop3A_199, %parallel_loop3A_200 : i32
          %parallel_loop3A_202 = arith.constant 1 : i32
          %parallel_loop3A_203 = arith.select %parallel_loop3A_201, %parallel_loop3A_202, %parallel_loop3A_199 : i32
          %parallel_loop3A_204 = arith.remsi %parallel_loop3A_163, %parallel_loop3A_203 : i32
          %parallel_loop3A_205 = arith.constant 0 : i32
          %parallel_loop3A_206 = arith.cmpi ne, %parallel_loop3A_204, %parallel_loop3A_205 : i32
          %parallel_loop3A_207 = arith.constant 0 : i32
          %parallel_loop3A_208 = arith.cmpi slt, %parallel_loop3A_204, %parallel_loop3A_207 : i32
          %parallel_loop3A_209 = arith.constant 0 : i32
          %parallel_loop3A_210 = arith.cmpi slt, %parallel_loop3A_203, %parallel_loop3A_209 : i32
          %parallel_loop3A_211 = arith.xori %parallel_loop3A_208, %parallel_loop3A_210 : i1
          %parallel_loop3A_212 = arith.andi %parallel_loop3A_211, %parallel_loop3A_206 : i1
          %parallel_loop3A_213 = arith.addi %parallel_loop3A_204, %parallel_loop3A_203 : i32
          %parallel_loop3A_214 = arith.select %parallel_loop3A_212, %parallel_loop3A_213, %parallel_loop3A_204 : i32
          %parallel_loop3A_215 = arith.constant 16 : i32
          %parallel_loop3A_216 = arith.muli %parallel_loop3A_166, %parallel_loop3A_215 : i32
          %parallel_loop3A_217 = arith.constant 1 : i32
          %parallel_loop3A_218 = arith.index_cast %parallel_loop3A_217 : i32 to index
          %parallel_loop3A_219 = arith.index_cast %parallel_loop3A_198 : i32 to index
          %parallel_loop3A_220 = arith.index_cast %parallel_loop3A_214 : i32 to index
          %parallel_loop3A_221 = arith.index_cast %parallel_loop3A_216 : i32 to index
          %parallel_loop3A_222 = tpu.vector_load %arg10[%parallel_loop3A_218, %parallel_loop3A_219, %parallel_loop3A_220, %parallel_loop3A_221] {strides = array<i32>} : memref<2x8x8x128xf32, #tpu.memory_space<vmem>>, vector<16xf32>,
          tpu.vector_store %arg10[%parallel_loop3A_218, %parallel_loop3A_219, %parallel_loop3A_220, %parallel_loop3A_221], %parallel_loop3A_174 {strides = array<i32>} : memref<2x8x8x128xf32, #tpu.memory_space<vmem>>, vector<16xf32>,
        } {sc.loop_unroll_factor = 8 : i64, sc.parallel_access}
        %dma_start3A_115 = arith.constant 1 : i32
        %dma_start3A_116 = arith.constant 1 : i32
        %dma_start3A_117 = arith.constant 0 : i32
        %dma_start3A_118 = arith.constant 0 : i32
        %dma_start3A_119 = arith.constant 0 : i32
        %dma_start3A_120 = tpu.memref_slice %arg10[%dma_start3A_115, %dma_start3A_117, %dma_start3A_118, %dma_start3A_119] : memref<2x8x8x128xf32, #tpu.memory_space<vmem>> -> memref<1x8x8x128xf32, #tpu.memory_space<vmem>>
        %dma_start3A_121 = tpu.memref_squeeze %dma_start3A_120 : memref<1x8x8x128xf32, #tpu.memory_space<vmem>> -> memref<8x8x128xf32, #tpu.memory_space<vmem>>
        %dma_start3A_122 = arith.constant 0 : i32
        %dma_start3A_123 = arith.constant 0 : i32
        %dma_start3A_124 = arith.constant 0 : i32
        %dma_start3A_125 = tpu.memref_slice %arg5[%scan3A_72, %dma_start3A_122, %add3A, %dma_start3A_123, %dma_start3A_124] : memref<200x8x32x8x128xf32, #tpu.memory_space<hbm>> -> memref<1x8x1x8x128xf32, #tpu.memory_space<hbm>>
        %dma_start3A_126 = tpu.memref_squeeze %dma_start3A_125 : memref<1x8x1x8x128xf32, #tpu.memory_space<hbm>> -> memref<8x8x128xf32, #tpu.memory_space<hbm>>
        %dma_start3A_127 = tpu.memref_slice %arg13[%dma_start3A_116] : memref<2x!tpu.dma_semaphore, #tpu.memory_space<semaphore_mem>> -> memref<1x!tpu.dma_semaphore, #tpu.memory_space<semaphore_mem>>
        %dma_start3A_128 = tpu.memref_squeeze %dma_start3A_127 : memref<1x!tpu.dma_semaphore, #tpu.memory_space<semaphore_mem>> -> memref<!tpu.dma_semaphore, #tpu.memory_space<semaphore_mem>>
        %dma_start3A_129 = arith.constant 0 : i32
        %dma_start3A_130 = arith.constant 0 : i32
        %dma_start3A_131 = arith.constant 0 : i32
        %dma_start3A_132 = tpu.memref_slice %arg5[%scan3A_72, %dma_start3A_129, %add3A, %dma_start3A_130, %dma_start3A_131] : memref<200x8x32x8x128xf32, #tpu.memory_space<hbm>> -> memref<1x8x1x8x128xf32, #tpu.memory_space<hbm>>
        %dma_start3A_133 = tpu.memref_squeeze %dma_start3A_132 : memref<1x8x1x8x128xf32, #tpu.memory_space<hbm>> -> memref<8x8x128xf32, #tpu.memory_space<hbm>>
        %dma_start3A_134 = arith.constant 0 : i32
        %dma_start3A_135 = arith.constant 0 : i32
        %dma_start3A_136 = arith.constant 0 : i32
        %dma_start3A_137 = tpu.memref_slice %arg10[%dma_start3A_115, %dma_start3A_134, %dma_start3A_135, %dma_start3A_136] : memref<2x8x8x128xf32, #tpu.memory_space<vmem>> -> memref<1x8x8x128xf32, #tpu.memory_space<vmem>>
        %dma_start3A_138 = tpu.memref_squeeze %dma_start3A_137 : memref<1x8x8x128xf32, #tpu.memory_space<vmem>> -> memref<8x8x128xf32, #tpu.memory_space<vmem>>
        tpu.enqueue_dma source(%dma_start3A_138 : memref<8x8x128xf32, #tpu.memory_space<vmem>>) target(%dma_start3A_133 : memref<8x8x128xf32, #tpu.memory_space<hbm>>) target_semaphore(%dma_start3A_128 : memref<!tpu.dma_semaphore, #tpu.memory_space<semaphore_mem>>)
      } else {
      }
    }
    %scan3A_22 = arith.constant 200 : i32
    %dma_wait3A = arith.constant 0 : i32
    %dma_wait3A_23 = arith.constant 0 : i32
    %dma_wait3A_24 = arith.constant 0 : i32
    %dma_wait3A_25 = arith.constant 0 : i32
    %dma_wait3A_26 = arith.constant 0 : i32
    %dma_wait3A_27 = arith.constant 0 : i32
    %dma_wait3A_28 = tpu.memref_slice %arg10[%dma_wait3A, %dma_wait3A_25, %dma_wait3A_26, %dma_wait3A_27] : memref<2x8x8x128xf32, #tpu.memory_space<vmem>> -> memref<1x8x8x128xf32, #tpu.memory_space<vmem>>
    %dma_wait3A_29 = tpu.memref_squeeze %dma_wait3A_28 : memref<1x8x8x128xf32, #tpu.memory_space<vmem>> -> memref<8x8x128xf32, #tpu.memory_space<vmem>>
    %dma_wait3A_30 = arith.constant 0 : i32
    %dma_wait3A_31 = arith.constant 0 : i32
    %dma_wait3A_32 = arith.constant 0 : i32
    %dma_wait3A_33 = tpu.memref_slice %arg5[%dma_wait3A_23, %dma_wait3A_30, %add3A, %dma_wait3A_31, %dma_wait3A_32] : memref<200x8x32x8x128xf32, #tpu.memory_space<hbm>> -> memref<1x8x1x8x128xf32, #tpu.memory_space<hbm>>
    %dma_wait3A_34 = tpu.memref_squeeze %dma_wait3A_33 : memref<1x8x1x8x128xf32, #tpu.memory_space<hbm>> -> memref<8x8x128xf32, #tpu.memory_space<hbm>>
    %dma_wait3A_35 = tpu.memref_slice %arg13[%dma_wait3A_24] : memref<2x!tpu.dma_semaphore, #tpu.memory_space<semaphore_mem>> -> memref<1x!tpu.dma_semaphore, #tpu.memory_space<semaphore_mem>>
    %dma_wait3A_36 = tpu.memref_squeeze %dma_wait3A_35 : memref<1x!tpu.dma_semaphore, #tpu.memory_space<semaphore_mem>> -> memref<!tpu.dma_semaphore, #tpu.memory_space<semaphore_mem>>
    %dma_wait3A_37 = arith.constant 0 : i32
    %dma_wait3A_38 = arith.constant 0 : i32
    %dma_wait3A_39 = arith.constant 0 : i32
    %dma_wait3A_40 = tpu.memref_slice %arg5[%dma_wait3A_23, %dma_wait3A_37, %add3A, %dma_wait3A_38, %dma_wait3A_39] : memref<200x8x32x8x128xf32, #tpu.memory_space<hbm>> -> memref<1x8x1x8x128xf32, #tpu.memory_space<hbm>>
    %dma_wait3A_41 = tpu.memref_squeeze %dma_wait3A_40 : memref<1x8x1x8x128xf32, #tpu.memory_space<hbm>> -> memref<8x8x128xf32, #tpu.memory_space<hbm>>
    %dma_wait3A_42 = arith.constant 0 : i32
    %dma_wait3A_43 = arith.constant 0 : i32
    %dma_wait3A_44 = arith.constant 0 : i32
    %dma_wait3A_45 = tpu.memref_slice %arg10[%dma_wait3A, %dma_wait3A_42, %dma_wait3A_43, %dma_wait3A_44] : memref<2x8x8x128xf32, #tpu.memory_space<vmem>> -> memref<1x8x8x128xf32, #tpu.memory_space<vmem>>
    %dma_wait3A_46 = tpu.memref_squeeze %dma_wait3A_45 : memref<1x8x8x128xf32, #tpu.memory_space<vmem>> -> memref<8x8x128xf32, #tpu.memory_space<vmem>>
    tpu.wait_dma2 semaphore(%dma_wait3A_36 : memref<!tpu.dma_semaphore, #tpu.memory_space<semaphore_mem>>) src(%dma_wait3A_46 : memref<8x8x128xf32, #tpu.memory_space<vmem>>) dst(%dma_wait3A_41 : memref<8x8x128xf32, #tpu.memory_space<hbm>>)
    %dma_wait3A_47 = arith.constant 1 : i32
    %dma_wait3A_48 = arith.constant 0 : i32
    %dma_wait3A_49 = arith.constant 1 : i32
    %dma_wait3A_50 = arith.constant 0 : i32
    %dma_wait3A_51 = arith.constant 0 : i32
    %dma_wait3A_52 = arith.constant 0 : i32
    %dma_wait3A_53 = tpu.memref_slice %arg10[%dma_wait3A_47, %dma_wait3A_50, %dma_wait3A_51, %dma_wait3A_52] : memref<2x8x8x128xf32, #tpu.memory_space<vmem>> -> memref<1x8x8x128xf32, #tpu.memory_space<vmem>>
    %dma_wait3A_54 = tpu.memref_squeeze %dma_wait3A_53 : memref<1x8x8x128xf32, #tpu.memory_space<vmem>> -> memref<8x8x128xf32, #tpu.memory_space<vmem>>
    %dma_wait3A_55 = arith.constant 0 : i32
    %dma_wait3A_56 = arith.constant 0 : i32
    %dma_wait3A_57 = arith.constant 0 : i32
    %dma_wait3A_58 = tpu.memref_slice %arg5[%dma_wait3A_48, %dma_wait3A_55, %add3A, %dma_wait3A_56, %dma_wait3A_57] : memref<200x8x32x8x128xf32, #tpu.memory_space<hbm>> -> memref<1x8x1x8x128xf32, #tpu.memory_space<hbm>>
    %dma_wait3A_59 = tpu.memref_squeeze %dma_wait3A_58 : memref<1x8x1x8x128xf32, #tpu.memory_space<hbm>> -> memref<8x8x128xf32, #tpu.memory_space<hbm>>
    %dma_wait3A_60 = tpu.memref_slice %arg13[%dma_wait3A_49] : memref<2x!tpu.dma_semaphore, #tpu.memory_space<semaphore_mem>> -> memref<1x!tpu.dma_semaphore, #tpu.memory_space<semaphore_mem>>
    %dma_wait3A_61 = tpu.memref_squeeze %dma_wait3A_60 : memref<1x!tpu.dma_semaphore, #tpu.memory_space<semaphore_mem>> -> memref<!tpu.dma_semaphore, #tpu.memory_space<semaphore_mem>>
    %dma_wait3A_62 = arith.constant 0 : i32
    %dma_wait3A_63 = arith.constant 0 : i32
    %dma_wait3A_64 = arith.constant 0 : i32
    %dma_wait3A_65 = tpu.memref_slice %arg5[%dma_wait3A_48, %dma_wait3A_62, %add3A, %dma_wait3A_63, %dma_wait3A_64] : memref<200x8x32x8x128xf32, #tpu.memory_space<hbm>> -> memref<1x8x1x8x128xf32, #tpu.memory_space<hbm>>
    %dma_wait3A_66 = tpu.memref_squeeze %dma_wait3A_65 : memref<1x8x1x8x128xf32, #tpu.memory_space<hbm>> -> memref<8x8x128xf32, #tpu.memory_space<hbm>>
    %dma_wait3A_67 = arith.constant 0 : i32
    %dma_wait3A_68 = arith.constant 0 : i32
    %dma_wait3A_69 = arith.constant 0 : i32
    %dma_wait3A_70 = tpu.memref_slice %arg10[%dma_wait3A_47, %dma_wait3A_67, %dma_wait3A_68, %dma_wait3A_69] : memref<2x8x8x128xf32, #tpu.memory_space<vmem>> -> memref<1x8x8x128xf32, #tpu.memory_space<vmem>>
    %dma_wait3A_71 = tpu.memref_squeeze %dma_wait3A_70 : memref<1x8x8x128xf32, #tpu.memory_space<vmem>> -> memref<8x8x128xf32, #tpu.memory_space<vmem>>
    tpu.wait_dma2 semaphore(%dma_wait3A_61 : memref<!tpu.dma_semaphore, #tpu.memory_space<semaphore_mem>>) src(%dma_wait3A_71 : memref<8x8x128xf32, #tpu.memory_space<vmem>>) dst(%dma_wait3A_66 : memref<8x8x128xf32, #tpu.memory_space<hbm>>)
    return
  }
}

</mosaic_0001>

<sc_bundles>
// kernel: kernel.3.cloned.1.call-start
scs
__scs_entry_jumppad:
0x0: {  	(pc) =	sbr.rel $0x88, $3  }
0x1: {  	(tag) =	ssettag $0x0;
	lr =	simm.s32 $0x1  }
0x2: {  	[smem:$0x3F9E] =	sst lr;
	_ =	strace $0xD0000000  }
0x3: {  	_ = 	snop  }
0x4: {  	_ = 	snop  }
0x5: {  	_ = 	snop  }
0x6: {  	_ = 	snop  }
0x7: {  	_ = 	snop  }
__scs_overlays_trampoline_lowered:
0x8: {  	[smem:$0x3FAD] =	sst s0  }
0x9: {  	[smem:$0x3FAE] =	sst s1  }
0xa: {  	[smem:$0x3FAF] =	sst s2  }
0xb: {  	[smem:$0x3FB0] =	sst s3  }
0xc: {  	[smem:$0x3FB1] =	sst s4  }
0xd: {  	[smem:$0x3FB2] =	sst s5  }
0xe: {  	[smem:$0x3FB3] =	sst s6  }
0xf: {  	[smem:$0x3FB4] =	sst s7  }
0x10: {  	[smem:$0x3FB5] =	sst s8  }
0x11: {  	[smem:$0x3FB6] =	sst s9;
	s0 =	simm.s32 @!p0 $0x0  }
0x12: {  	s1 =	sld [smem:$0x3F9C];
	s0 =	simm.s32 @p0 $0x1  }
0x13: {  	[smem:$0x3FB7] =	sst s0;
	s0 =	simm.s32 @!p1 $0x0  }
0x14: {  	s2 =	sld [smem:$0x3F9B];
	s0 =	simm.s32 @p1 $0x1  }
0x15: {  	[smem:$0x3FB8] =	sst s0;
	s0 =	simm.s32 @!p2 $0x0  }
0x16: {  	s3 =	sld [smem:$0x3FDB];
	s0 =	simm.s32 @p2 $0x1  }
0x17: {  	s4 =	simm.s32 $0x1BF5;
	[smem:$0x3FBA] =	sst s0  }
0x18: {  	s0 =	sld [smem:$0x3F9D];
	_ =	swait.ge [sflag:s4], $0x0  }
0x19: {  	s7 =	sld [smem:$0x3F9E]  }
0x1a: {  	s8 =	sadd.s32 $0xFFFFE003, lr  }
0x1b: {  	s9 =	sadd.s32 $0xFFFFFEF7, lr;
	s5 =	simm.s32 $0xFFFFFFFF;
	p2 =	slt.u32 s8, $0xFFFFF086  }
0x1c: {  	p1 =	slt.u32 s9, $0xF7A;
	s5 =	simm.s32 @!p2 $0x0  }
0x1d: {  	s5 =	simm.s32 @p1 $0x1;
	p0 =	seq.s32 s7, s2  }
0x1e: {  	s7 =	smul.u32 @!p0 $0xF7A, s2;
	p2 =	seq.s32 @!p0 s5, $0x0  }
0x1f: {  	s9 =	smul.u32 $0xF7A, s1;
	s8 =	simm.s32 @!p0 $0x1BF5;
	p2 =	por !p2, p0  }
0x20: {  	[sflag:s8] =	ssyncset.s32 @!p0 $0xFFFFF086;
	s6 =	sadd.s32 @!p0 s3, s7;
	s7 =	simm.s32 @!p0 $0x108  }
0x21: {  	s3 =	sadd.s32 s3, s9;
	s6 =	sadd.s32 @!p0 $0x88, s6;
	s7 =	simm.s32 @p2 $0x1082  }
0x22: {  	[simem:s7], [sflag:s8] =	dma.local @!p0 [hbm:s6], $0xF7A  }
0x23: {  	s9 =	sor.u32 $0xD0000000, s2;
	s6 =	simm.s32 $0x108;
	_ =	swait.ge @!p0 [sflag:s8], $0x0  }
0x24: {  	s3 =	sadd.s32 $0x88, s3;
	s6 =	simm.s32 @!p1 $0x1082;
	[sflag:s4] =	ssyncset.s32 $0xFFFFF086  }
0x25: {  	[simem:s6], [sflag:s4] =	dma.local [hbm:s3], $0xF7A  }
0x26: {  	[smem:$0x3F9E] =	sst s1;
	(tag) =	ssettag s2;
	_ =	strace s9  }
0x27: {  	s1 =	sld [smem:$0x3FAE]  }
0x28: {  	s2 =	sld [smem:$0x3FAF]  }
0x29: {  	s4 =	sld [smem:$0x3FB1]  }
0x2a: {  	p0 =	seq.s32 s5, $0x0;
	s5 =	sld [smem:$0x3FB2]  }
0x2b: {  	s6 =	sld [smem:$0x3FB3]  }
0x2c: {  	s7 =	sld [smem:$0x3FB4]  }
0x2d: {  	s3 =	simm.s32 $0x108;
	s8 =	sld [smem:$0x3FB5]  }
0x2e: {  	s3 =	simm.s32 @!p0 $0x1082;
	s9 =	sld [smem:$0x3FB6]  }
0x2f: {  	lr =	sadd.s32 s0, s3;
	s0 =	sld [smem:$0x3FAD]  }
0x30: {  	s3 =	sld [smem:$0x3FB0]  }
0x31: {  	[smem:$0x3FB9] =	sst s10  }
0x32: {  	s10 =	sld [smem:$0x3FB7];
	_ =	sdelay $0x3  }
0x33: {  	p0 =	seq.s32 s10, $0x1;
	s10 =	sld [smem:$0x3FB9];
	_ =	sdelay $0x3  }
0x34: {  	[smem:$0x3FB9] =	sst s10  }
0x35: {  	s10 =	sld [smem:$0x3FB8];
	_ =	sdelay $0x3  }
0x36: {  	p1 =	seq.s32 s10, $0x1;
	s10 =	sld [smem:$0x3FB9];
	_ =	sdelay $0x3  }
0x37: {  	[smem:$0x3FB9] =	sst s10  }
0x38: {  	s10 =	sld [smem:$0x3FBA]  }
0x39: {  	_ = 	snop;
	(pc) =	sbr.ind lr, $3  }
0x3a: {  	_ = 	snop  }
0x3b: {  	_ = 	snop  }
0x3c: {  	p2 =	seq.s32 s10, $0x1;
	s10 =	sld [smem:$0x3FB9]  }
0x3d: {  	_ =	shalt  }
0x3e: {  	_ =	shalt  }
0x3f: {  	_ =	shalt  }
0x40: {  	_ =	shalt  }
0x41: {  	_ =	shalt  }
0x42: {  	_ =	shalt  }
0x43: {  	_ =	shalt  }
0x44: {  	_ =	shalt  }
0x45: {  	_ =	shalt  }
0x46: {  	_ =	shalt  }
0x47: {  	_ =	shalt  }
0x48: {  	_ =	shalt  }
0x49: {  	_ =	shalt  }
0x4a: {  	_ =	shalt  }
0x4b: {  	_ =	shalt  }
0x4c: {  	_ =	shalt  }
0x4d: {  	_ =	shalt  }
0x4e: {  	_ =	shalt  }
0x4f: {  	_ =	shalt  }
0x50: {  	_ =	shalt  }
0x51: {  	_ =	shalt  }
0x52: {  	_ =	shalt  }
0x53: {  	_ =	shalt  }
0x54: {  	_ =	shalt  }
0x55: {  	_ =	shalt  }
0x56: {  	_ =	shalt  }
0x57: {  	_ =	shalt  }
0x58: {  	_ =	shalt  }
0x59: {  	_ =	shalt  }
0x5a: {  	_ =	shalt  }
0x5b: {  	_ =	shalt  }
0x5c: {  	_ =	shalt  }
0x5d: {  	_ =	shalt  }
0x5e: {  	_ =	shalt  }
0x5f: {  	_ =	shalt  }
0x60: {  	_ =	shalt  }
0x61: {  	_ =	shalt  }
0x62: {  	_ =	shalt  }
0x63: {  	_ =	shalt  }
0x64: {  	_ =	shalt  }
0x65: {  	_ =	shalt  }
0x66: {  	_ =	shalt  }
0x67: {  	_ =	shalt  }
0x68: {  	_ =	shalt  }
0x69: {  	_ =	shalt  }
0x6a: {  	_ =	shalt  }
0x6b: {  	_ =	shalt  }
0x6c: {  	_ =	shalt  }
0x6d: {  	_ =	shalt  }
0x6e: {  	_ =	shalt  }
0x6f: {  	_ =	shalt  }
0x70: {  	_ =	shalt  }
0x71: {  	_ =	shalt  }
0x72: {  	_ =	shalt  }
0x73: {  	_ =	shalt  }
0x74: {  	_ =	shalt  }
0x75: {  	_ =	shalt  }
0x76: {  	_ =	shalt  }
0x77: {  	_ =	shalt  }
0x78: {  	_ =	shalt  }
0x79: {  	_ =	shalt  }
0x7a: {  	_ =	shalt  }
0x7b: {  	_ =	shalt  }
0x7c: {  	_ =	shalt  }
0x7d: {  	_ =	shalt  }
0x7e: {  	_ =	shalt  }
0x7f: {  	_ =	shalt  }
0x80: {  	_ =	shalt  }
0x81: {  	_ =	shalt  }
0x82: {  	_ =	shalt  }
0x83: {  	_ =	shalt  }
0x84: {  	_ =	shalt  }
0x85: {  	_ =	shalt  }
0x86: {  	_ =	shalt  }
0x87: {  	_ =	shalt  }
.Lfunc_end0:
.L_simem_size_0:
called_computation.1_lowered:
.L_overlay_start_0:
0x88: {  	s2 =	sld [smem:$0x3FD9]  }
0x89: {  	s3 =	sld [smem:$0x3FFE];
	_ =	sdelay $0x1  }
0x8a: {  	s1 =	srdreg.scid  }
0x8b: {  	s0 =	sand.u32 $0x1, s1  }
0x8c: {  	s17 =	sshll.u32 s0, $0xA;
	s2 =	sadd.s32 s3, s2  }
0x8d: {  	s2 =	sadd.s32 s2, s17  }
0x8e: {  	[smem:$0x3FC5] =	sst s2  }
0x8f: {  	_ = 	snop  }
0x90: {  	s2 =	sld [smem:$0x3FD0];
	(tm) =	ssettm $0x1  }
0x91: {  	s18 =	sld [smem:$0x3FFB];
	_ =	sdelay $0x3  }
0x92: {  	_ =	strace s18  }
0x93: {  	s3 =	sld [smem:$0x3FFC];
	_ =	sdelay $0x3  }
0x94: {  	_ =	strace s3  }
0x95: {  	s3 =	sld [smem:$0x3FFD];
	_ =	sdelay $0x3  }
0x96: {  	_ =	strace s3  }
0x97: {  	_ =	strace $0x8FFFFFFF  }
0x98: {  	s19 =	sld [smem:$0x3FDB];
	_ =	sdelay $0x1  }
0x99: {  	s4 =	simm.s32 $_scs_section_size  }
0x9a: {  	s5 =	simm.s32 $_size__tile_overlayer_lowered;
	s6 =	simm.s32 $_tile_overlayer_lowered  }
0x9b: {  	s22 =	simm.s32 $0x1BFF;
	s21 =	sshll.u32 s6, $0x1;
	s3 =	sadd.s32 s4, s19  }
0x9c: {  	s7 =	simm.s32 $0x0;
	s20 =	sshll.u32 s5, $0x1;
	s5 =	sadd.s32 s21, s3  }
0x9d: {  	[timem:s7], [sflag:s22] =	dma.local [hbm:s5], s20  }
0x9e: {  	_ =	swait.ge [sflag:s22], s20  }
0x9f: {  	s4 =	ssub.s32 $0x0, s20;
	[sflag:s22] =	ssyncset.done $0x0  }
0xa0: {  	[sflag:s22] =	ssyncadd.s32 s4;
	_ =	sdelay $0x1  }
0xa1: {  	s23 =	simm.s32 $0x1B8B  }
0xa2: {  	_ =	swait.ge [sflag:s23], $0x1  }
0xa3: {  	[sflag:s23] =	ssyncset.done $0x0  }
0xa4: {  	s25 =	simm.s32 $0x1B8E;
	s24 =	sld [smem:$0x3FFE];
	[sflag:s23] =	ssyncadd.s32 $0xFFFFFFFF  }
0xa5: {  	s26 =	simm.s32 $execute0_lowered;
	[smem:$0x3FD2] =	sst s25  }
0xa6: {  	s5 =	sshll.u32 s26, $0x1;
	_ =	strace $0x80000049;
	[dreg:$0x1] =	wrdreg $0xFFFFFFFF  }
0xa7: {  	s28 =	simm.s32 $_size_execute0_lowered;
	s3 =	sadd.s32 s3, s5;
	[dreg:$0x0] =	wrdreg $0x0  }
0xa8: {  	s5 =	sshll.u32 s28, $0x1;
	[dreg:$0x2] =	wrdreg s3  }
0xa9: {  	[dreg:$0x3] =	wrdreg s5  }
0xaa: {  	[dreg:$0x4] =	wrdreg $0xC0  }
0xab: {  	_ =	task [dreg:s7], $0x5FFFF  }
0xac: {  	[dreg:$0x1] =	wrdreg $0xFFFFFFFF  }
0xad: {  	[dreg:$0x0] =	wrdreg $0x60  }
0xae: {  	[dreg:$0x2] =	wrdreg s24  }
0xaf: {  	[dreg:$0x3] =	wrdreg s2  }
0xb0: {  	[dreg:$0x4] =	wrdreg $0x9  }
0xb1: {  	_ =	task.clear_ibuf [dreg:s7], $0x5FFFF;
	_ =	strace $0x90000049  }
0xb2: {  	s29 =	simm.s32 $0x9;
	_ =	strace $0x8000004B  }
0xb3: {  	_ =	swait.ge [sflag:s29], $0x1  }
0xb4: {  	[sflag:s29] =	ssyncadd.s32 $0xFFFFFFFF  }
0xb5: {  	_ =	strace $0x9000004B  }
0xb6: {  	_ =	sfence  }
0xb7: {  	s30 =	sld [smem:$0x0];
	_ =	sdelay $0x2  }
0xb8: {  	s31 =	sshll.u32 s1, $0xD;
	s1 =	sshrl.u32 s1, $0x2  }
0xb9: {  	s3 =	sand.u32 $0x4000, s31;
	s1 =	sadd.s32 s1, s30  }
0xba: {  	s0 =	sor.u32 s3, s0;
	s1 =	sshll.u32 s1, $0x11  }
0xbb: {  	s0 =	sor.u32 s1, s0  }
0xbc: {  	s0 =	sadd.s32 $0x8F2B, s0  }
0xbd: {  	[sflag:s0] =	ssyncadd.remote.s32 $0x1  }
0xbe: {  	_ =	sfence.sel $0xFFFF  }
0xbf: {  	[dreg:$0x0] =	wrdreg $0xFFFFFFFF;
	(pc) =	sbr.abs _section_cstart, $3  }
0xc0: {  	[dreg:$0x1] =	wrdreg $0xFFFFFFFF  }
0xc1: {  	_ =	task.clear_ibuf [dreg:s7], $0x2FFFF;
	_ =	strace $0x9FFFFFFF  }
0xc2: {  	(tm) =	ssettm $0x7FFFFFFF  }
0xc3: {  	_ =	shalt  }
tec
execute0_lowered:
.L_overlay_start_1:
0x0: {  	(tag) =	ssettag $0x1  }
0x1: {  	s0 =	rddreg [dreg:$0x0]  }
0x2: {  	s1 =	rddreg [dreg:$0x1]  }
0x3: {  	s2 =	simm.s32 $0x0;
	s30 =	srdreg.scid;
	s6 =	stileid.u32  }
0x4: {  	s11 =	simm.s32 $0x5;
	s12 =	simm.s32 $0x80;
	s15 =	simm.s32 $0x1  }
0x5: {  	s16 =	simm.s32 $0x4100;
	s17 =	simm.s32 $0x400;
	s18 =	simm.s32 $0x8000  }
0x6: {  	s19 =	simm.s32 $0x6180;
	s22 =	simm.s32 $0x2;
	[smem:$0x7FF] =	sst s2  }
0x7: {  	s3 =	sadd.s32 $0xF43000, s0;
	s2 =	sand.u32 $0x1, s30;
	s4 =	sadd.s32 $0xF5C800, s0  }
0x8: {  	s6 =	sshll.u32 s6, $0x1;
	s0 =	sadd.s32 $0xF5C000, s0;
	_ =	strace $0x8000004A  }
.Ltmp0:
0x9: {  	s5 =	ssub.s32 $0x2, s2;
	s2 =	sor.u32 s2, s6;
	(pc) =	sbr.rel .LBB2_1-.Ltmp0, $4  }
0xa: {  	s31 =	sshrl.u32 s5, $0x1;
	s6 =	sshll.u32 s2, $0x7;
	s2 =	sshll.u32 s2, $0x4  }
0xb: {  	v0 =	vlaneseq.u32;
	[dreg:$0x3] =	wrdreg s0;
	s0 =	ssub.s32 s5, s31;
	s2 =	sadd.s32 s3, s2  }
0xc: {  	s23 =	simm.s32 $0x8180;
	v0 =	vmul.u32 $0x41, v0;
	[dreg:$0x4] =	wrdreg s2;
	s0 =	smax.u32 s0, $0x1  }
0xd: {  	s8 =	sadd.s32 s1, s6;
	s2 =	simm.s32 $0x0;
	[dreg:$0x5] =	wrdreg s0  }
.LBB2_23:
0xe: {  	s0 =	simm.s32 $0x3  }
0xf: {  	_ =	swait.ge [sflag:s0], $0x2000  }
0x10: {  	[sflag:s0] =	ssyncset.done $0x0  }
0x11: {  	s1 =	simm.s32 $0x4;
	[sflag:s0] =	ssyncadd.s32 $0xFFFFE000  }
0x12: {  	_ =	swait.ge [sflag:s1], $0x2000  }
0x13: {  	s2 =	rddreg [dreg:$0x6]  }
0x14: {  	s31 =	rddreg [dreg:$0x5];
	s2 =	sadd.s32 $0x1, s2  }
0x15: {  	p0 =	sne.s32 s2, s31  }
.Ltmp1:
0x16: {  	_ = 	snop;
	(pc) =	sbr.rel @!p0 .LBB2_24-.Ltmp1, $3  }
0x17: {  	_ =	sdelay $0x1  }
0x18: {  	[sflag:s1] =	ssyncset.done $0x0  }
0x19: {  	[sflag:s1] =	ssyncadd.s32 $0xFFFFE000  }
.LBB2_1:
0x1a: {  	[dreg:$0x6] =	wrdreg s2  }
0x1b: {  	s0 =	simm.s32 $0x0;
	s1 =	rddreg [dreg:$0x3];
	s30 =	simm.s32 $0xA180  }
0x1c: {  	[tilespmem:s30], [sflag:$0x5] =	stream.linear.gather [hbm4b:s1+s0], $0x3200, $0x38;
	[tilespmem:$0xD380] =	vst v63  }
0x1d: {  	_ =	swait.ge [sflag:s11], $0x3200  }
0x1e: {  	[sflag:s11] =	ssyncset.done $0x0  }
0x1f: {  	s31 =	rddreg [dreg:$0x4];
	[sflag:s11] =	ssyncadd.s32 $0xFFFFCE00  }
0x20: {  	[tilespmem:s0], [sflag:$0x5] =	stream.linear.gather [hbm4b:s31+s0], $0x80, $0x38;
	[tilespmem:$0xD380] =	vst v63  }
0x21: {  	_ =	swait.ge [sflag:s11], $0x80  }
0x22: {  	[sflag:s11] =	ssyncset.done $0x0  }
0x23: {  	p0 =	por $0x1, $0x1;
	s0 =	simm.s32 $0x0;
	[sflag:s11] =	ssyncadd.s32 $0xFFFFFF80  }
.LBB2_2:
0x24: {  	s0 =	sshra.s32 s0, $0x2  }
0x25: {  	v1 =	vld [tilespmem:s0+$0x0]  }
0x26: {  	v2 =	vld [tilespmem:s0+$0x10]  }
0x27: {  	v3 =	vld [tilespmem:s0+$0x20]  }
0x28: {  	v4 =	vld [tilespmem:s0+$0x30]  }
0x29: {  	p1 =	por p0, p0  }
.Ltmp2:
0x2a: {  	v1 =	vshll.u32 v1, $0x1;
	(pc) =	sbr.rel @p1 .LBB2_2-.Ltmp2, $4  }
0x2b: {  	[tilespmem:s0+$0x0] =	vst v1;
	v1 =	vshll.u32 v2, $0x1  }
0x2c: {  	[tilespmem:s0+$0x10] =	vst v1;
	v1 =	vshll.u32 v3, $0x1  }
0x2d: {  	[tilespmem:s0+$0x20] =	vst v1;
	v1 =	vshll.u32 v4, $0x1  }
0x2e: {  	p0 =	por $0x0, $0x0;
	[tilespmem:s0+$0x30] =	vst v1;
	s0 =	simm.s32 $0x100  }
.Ltmp3:
0x2f: {  	(pc) =	sbr.rel .LBB2_4-.Ltmp3, $3  }
0x30: {  	_ =	sdelay $0x1  }
0x31: {  	s25 =	simm.s32 $0x0;
	s0 =	simm.s32 $0x100  }
0x32: {  	[tilespmem:s0], [sflag:$0x1] =	stream.indirect.gather [hbm4b:s4+s12], $0x40, s25, s12, $0xb8;
	[tilespmem:$0xD380] =	vst v63  }
.LBB2_22:
0x33: {  	p0 =	sne.s32 s26, $0xC8  }
.Ltmp4:
0x34: {  	_ = 	snop;
	(pc) =	sbr.rel @!p0 .LBB2_23-.Ltmp4, $2  }
0x35: {  	_ =	sdelay $0x2  }
0x36: {  	s25 =	smov.u32 s26  }
.LBB2_4:
0x37: {  	p0 =	seq.s32 s25, $0x0  }
.Ltmp5:
0x38: {  	_ = 	snop;
	(pc) =	sbr.rel @p0 .LBB2_7-.Ltmp5, $2  }
0x39: {  	_ =	sdelay $0x2  }
0x3a: {  	s28 =	sand.u32 $0x1, s25;
	s26 =	sadd.s32 $0x1, s25  }
0x3b: {  	p0 =	seq.s32 s25, $0xC7  }
.Ltmp6:
0x3c: {  	_ = 	snop;
	(pc) =	sbr.rel @p0 .LBB2_17-.Ltmp6, $1  }
0x3d: {  	_ =	sdelay $0x3  }
0x3e: {  	p0 =	seq.s32 s28, $0x1  }
.Ltmp7:
0x3f: {  	s0 =	sxor.u32 $0x1, s28;
	(pc) =	sbr.rel @!p0 .LBB2_7-.Ltmp7, $4  }
0x40: {  	s0 =	sadd.s32 $0x3, s0  }
0x41: {  	_ =	swait.ge [sflag:s0], $0x2000  }
0x42: {  	[sflag:s0] =	ssyncset.done $0x0  }
0x43: {  	[sflag:s0] =	ssyncadd.s32 $0xFFFFE000  }
0x44: {  	s0 =	sshll.u32 s26, $0xC  }
0x45: {  	s0 =	sor.u32 s6, s0  }
0x46: {  	s0 =	sshrl.u32 s0, $0x3  }
0x47: {  	s1 =	sadd.s32 s3, s0;
	s0 =	simm.s32 $0x0  }
0x48: {  	[tilespmem:s0], [sflag:$0x5] =	stream.linear.gather [hbm4b:s1+s0], $0x80, $0x38;
	[tilespmem:$0xD380] =	vst v63  }
0x49: {  	_ =	swait.ge [sflag:s11], $0x80  }
0x4a: {  	[sflag:s11] =	ssyncset.done $0x0  }
0x4b: {  	p0 =	por $0x1, $0x1;
	[sflag:s11] =	ssyncadd.s32 $0xFFFFFF80  }
.LBB2_15:
0x4c: {  	s0 =	sshra.s32 s0, $0x2  }
0x4d: {  	v1 =	vld [tilespmem:s0+$0x0]  }
0x4e: {  	v2 =	vld [tilespmem:s0+$0x10]  }
0x4f: {  	v3 =	vld [tilespmem:s0+$0x20]  }
0x50: {  	v4 =	vld [tilespmem:s0+$0x30]  }
0x51: {  	p1 =	por p0, p0  }
.Ltmp8:
0x52: {  	v1 =	vshll.u32 v1, $0x1;
	(pc) =	sbr.rel @p1 .LBB2_15-.Ltmp8, $4  }
0x53: {  	[tilespmem:s0+$0x0] =	vst v1;
	v1 =	vshll.u32 v2, $0x1  }
0x54: {  	[tilespmem:s0+$0x10] =	vst v1;
	v1 =	vshll.u32 v3, $0x1  }
0x55: {  	[tilespmem:s0+$0x20] =	vst v1;
	v1 =	vshll.u32 v4, $0x1  }
0x56: {  	p0 =	por $0x0, $0x0;
	[tilespmem:s0+$0x30] =	vst v1;
	s0 =	simm.s32 $0x100  }
.Ltmp9:
0x57: {  	(pc) =	sbr.rel .LBB2_17-.Ltmp9, $3  }
0x58: {  	_ =	sdelay $0x1  }
0x59: {  	s0 =	simm.s32 $0x0;
	s1 =	simm.s32 $0x100  }
0x5a: {  	[tilespmem:s1], [sflag:$0x1] =	stream.indirect.gather [hbm4b:s4+s12], $0x40, s0, s12, $0xb8;
	[tilespmem:$0xD380] =	vst v63  }
.LBB2_7:
0x5b: {  	s0 =	sshll.u32 s26, $0xC  }
0x5c: {  	s0 =	sor.u32 s6, s0  }
0x5d: {  	s0 =	sshrl.u32 s0, $0x3  }
0x5e: {  	s1 =	sadd.s32 s3, s0;
	s0 =	simm.s32 $0x0  }
0x5f: {  	[tilespmem:s12], [sflag:$0x5] =	stream.linear.gather [hbm4b:s1+s0], $0x80, $0x38;
	[tilespmem:$0xD380] =	vst v63  }
0x60: {  	_ =	swait.ge [sflag:s11], $0x80  }
0x61: {  	[sflag:s11] =	ssyncset.done $0x0  }
0x62: {  	p0 =	por $0x1, $0x1;
	[sflag:s11] =	ssyncadd.s32 $0xFFFFFF80  }
.LBB2_8:
0x63: {  	s0 =	sshra.s32 s0, $0x2  }
0x64: {  	v1 =	vld [tilespmem:s0+$0x80]  }
0x65: {  	v2 =	vld [tilespmem:s0+$0x90]  }
0x66: {  	v3 =	vld [tilespmem:s0+$0xA0]  }
0x67: {  	v4 =	vld [tilespmem:s0+$0xB0]  }
0x68: {  	p1 =	por p0, p0  }
.Ltmp10:
0x69: {  	v1 =	vshll.u32 v1, $0x1;
	(pc) =	sbr.rel @p1 .LBB2_8-.Ltmp10, $4  }
0x6a: {  	[tilespmem:s0+$0x80] =	vst v1;
	v1 =	vshll.u32 v2, $0x1  }
0x6b: {  	[tilespmem:s0+$0x90] =	vst v1;
	v1 =	vshll.u32 v3, $0x1  }
0x6c: {  	[tilespmem:s0+$0xA0] =	vst v1;
	v1 =	vshll.u32 v4, $0x1  }
0x6d: {  	p0 =	por $0x0, $0x0;
	[tilespmem:s0+$0xB0] =	vst v1;
	s0 =	simm.s32 $0x100  }
0x6e: {  	s0 =	simm.s32 $0x2100  }
0x6f: {  	[tilespmem:s0], [sflag:$0x2] =	stream.indirect.gather [hbm4b:s4+s12], $0x40, s12, s12, $0xb8;
	[tilespmem:$0xD380] =	vst v63  }
0x70: {  	_ =	swait.ge [sflag:s15], $0x2000  }
0x71: {  	s14 =	sshll.u32 s25, $0x6;
	[sflag:s15] =	ssyncset.done $0x0  }
0x72: {  	s0 =	sand.u32 $0x3FFFFFC0, s14;
	[sflag:s15] =	ssyncadd.s32 $0xFFFFE000  }
0x73: {  	s7 =	simm.s32 $0x180;
	v4 =	vld [tilespmem:s0+$0xA180]  }
0x74: {  	v5 =	vld [tilespmem:s7+$0x40];
	_ =	sdelay $0x1  }
0x75: {  	v3 =	vld [tilespmem:s0+$0xA190]  }
0x76: {  	v2 =	vld [tilespmem:s0+$0xA1A0]  }
0x77: {  	v6 =	vld [tilespmem:s7+$0xFFFFFF80]  }
0x78: {  	v7 =	vld [tilespmem:s7+$0xFFFFFFC0];
	v5 =	vadd.f32 v5, v4  }
0x79: {  	s20 =	simm.s32 $0x4182;
	v8 =	vld [tilespmem:s7+$0x0]  }
0x7a: {  	v1 =	vld [tilespmem:s0+$0xA1B0];
	[tilespmem:s20+$0x41] =	vst v5  }
0x7b: {  	v5 =	vld [tilespmem:s7+$0x50]  }
0x7c: {  	v6 =	vadd.f32 v6, v4  }
0x7d: {  	v7 =	vadd.f32 v7, v4  }
0x7e: {  	v8 =	vadd.f32 v8, v4;
	[tilespmem:s20+$0xFFFFFF7E] =	vst v6  }
0x7f: {  	[tilespmem:s20+$0xFFFFFFBF] =	vst v7;
	v6 =	vld [tilespmem:s7+$0xFFFFFF90]  }
0x80: {  	s21 =	simm.s32 $0xC3;
	[tilespmem:s20+$0x0] =	vst v8;
	v7 =	vld [tilespmem:s7+$0xFFFFFFD0];
	v5 =	vadd.f32 v5, v3  }
0x81: {  	s30 =	simm.s32 $0x280;
	s31 =	sand.u32 $0x3FFF, s21;
	v8 =	vld [tilespmem:s7+$0x10]  }
0x82: {  	[tilespmem:s31+$0x4110] =	vst v5;
	v5 =	vld [tilespmem:s30+$0x40]  }
0x83: {  	v9 =	vld [tilespmem:s7+$0x60]  }
0x84: {  	s29 =	simm.s32 $0x0;
	v10 =	vld [tilespmem:s30+$0xFFFFFFC0];
	v6 =	vadd.f32 v6, v3  }
0x85: {  	s1 =	simm.s32 $0x41;
	s0 =	sand.u32 $0x1FFC, s29;
	v11 =	vld [tilespmem:s30+$0x0];
	v7 =	vadd.f32 v7, v3  }
0x86: {  	s5 =	simm.s32 $0x82;
	s2 =	sand.u32 $0x1FFD, s1;
	v8 =	vadd.f32 v8, v3;
	[tilespmem:s0+$0x4110] =	vst v6;
	v6 =	vld [tilespmem:s30+$0xFFFFFF80]  }
0x87: {  	s10 =	sand.u32 $0x1FFE, s5;
	[tilespmem:s2+$0x4110] =	vst v7;
	v7 =	vld [tilespmem:s7+$0xFFFFFFA0];
	v5 =	vadd.f32 v5, v4  }
0x88: {  	s5 =	simm.s32 $0x4286;
	[tilespmem:s10+$0x4110] =	vst v8;
	v8 =	vld [tilespmem:s7+$0xFFFFFFE0];
	v9 =	vadd.f32 v9, v2  }
0x89: {  	v10 =	vadd.f32 v10, v4;
	[tilespmem:s5+$0x41] =	vst v5;
	v5 =	vld [tilespmem:s7+$0x20]  }
0x8a: {  	v11 =	vadd.f32 v11, v4;
	v12 =	vld [tilespmem:s30+$0x50];
	[tilespmem:s31+$0x4120] =	vst v9  }
0x8b: {  	[tilespmem:s5+$0xFFFFFFBF] =	vst v10;
	v6 =	vadd.f32 v6, v4;
	v9 =	vld [tilespmem:s7+$0x70]  }
0x8c: {  	[tilespmem:s5+$0x0] =	vst v11;
	v13 =	vld [tilespmem:s30+$0xFFFFFFD0];
	v10 =	vadd.f32 v7, v2  }
0x8d: {  	v7 =	vld [tilespmem:s30+$0x10];
	[tilespmem:s5+$0xFFFFFF7E] =	vst v6;
	v6 =	vadd.f32 v8, v2  }
0x8e: {  	s9 =	simm.s32 $0x4;
	v8 =	vld [tilespmem:s30+$0xFFFFFF90];
	[tilespmem:s0+$0x4120] =	vst v10;
	v10 =	vadd.f32 v5, v2  }
0x8f: {  	s24 =	simm.s32 $0x145;
	s14 =	simm.s32 $0x1C7;
	s21 =	simm.s32 $0x186;
	[tilespmem:s2+$0x4120] =	vst v6;
	v5 =	vld [tilespmem:s7+$0xFFFFFFB0];
	v12 =	vadd.f32 v12, v3  }
0x90: {  	s13 =	sand.u32 $0x1FFD, s24;
	s14 =	sand.u32 $0x3FFF, s14;
	s20 =	simm.s32 $0x104;
	v6 =	vld [tilespmem:s7+$0xFFFFFFF0];
	[tilespmem:s10+$0x4120] =	vst v10;
	v10 =	vadd.f32 v9, v1  }
0x91: {  	s1 =	simm.s32 $0x380;
	s21 =	sand.u32 $0x1FFE, s21;
	s24 =	sand.u32 $0x1FFC, s20;
	v11 =	vadd.f32 v13, v3;
	[tilespmem:s14+$0x4110] =	vst v12;
	v9 =	vld [tilespmem:s7+$0x30]  }
.LBB2_10:
0x92: {  	v12 =	vld [tilespmem:s1+$0x40];
	v7 =	vadd.f32 v7, v3;
	[tilespmem:s31+$0x4130] =	vst v10;
	s7 =	simm.s32 $0x1C70;
	s31 =	smov.u32 s14  }
0x93: {  	s9 =	sadd.s32 $0x4, s9;
	v8 =	vadd.f32 v8, v3;
	[tilespmem:s13+$0x4110] =	vst v11;
	v10 =	vld [tilespmem:s30+$0x60]  }
0x94: {  	p0 =	slt.u32 s9, $0x7C;
	v11 =	vld [tilespmem:s1+$0xFFFFFFC0];
	[tilespmem:s21+$0x4110] =	vst v7;
	v5 =	vadd.f32 v5, v1  }
0x95: {  	v7 =	vld [tilespmem:s1+$0x0];
	[tilespmem:s24+$0x4110] =	vst v8;
	v6 =	vadd.f32 v6, v1  }
0x96: {  	v8 =	vld [tilespmem:s1+$0xFFFFFF80];
	[tilespmem:s0+$0x4130] =	vst v5;
	v5 =	vadd.f32 v9, v1;
	s0 =	smov.u32 s24  }
0x97: {  	v9 =	vadd.f32 v12, v4;
	v12 =	vld [tilespmem:s30+$0xFFFFFFA0];
	[tilespmem:s2+$0x4130] =	vst v6;
	s2 =	smov.u32 s13  }
0x98: {  	s5 =	sadd.s32 $0x104, s5;
	v6 =	vld [tilespmem:s30+$0xFFFFFFE0];
	v10 =	vadd.f32 v10, v2;
	[tilespmem:s10+$0x4130] =	vst v5;
	s10 =	smov.u32 s21  }
0x99: {  	v5 =	vadd.f32 v11, v4;
	[tilespmem:s5+$0x41] =	vst v9;
	v9 =	vld [tilespmem:s30+$0x20]  }
0x9a: {  	v7 =	vadd.f32 v7, v4;
	v11 =	vld [tilespmem:s1+$0x50];
	[tilespmem:s31+$0x4120] =	vst v10  }
0x9b: {  	v8 =	vadd.f32 v8, v4;
	[tilespmem:s5+$0xFFFFFFBF] =	vst v5;
	v10 =	vld [tilespmem:s30+$0x70]  }
0x9c: {  	v13 =	vld [tilespmem:s1+$0xFFFFFFD0];
	[tilespmem:s5+$0x0] =	vst v7;
	v5 =	vadd.f32 v12, v2  }
.Ltmp11:
0x9d: {  	[tilespmem:s5+$0xFFFFFF7E] =	vst v8;
	v7 =	vld [tilespmem:s1+$0x10];
	v6 =	vadd.f32 v6, v2;
	(pc) =	sbr.rel @p0 .LBB2_10-.Ltmp11, $4  }
0x9e: {  	s20 =	sadd.s32 $0x104, s20;
	v8 =	vld [tilespmem:s1+$0xFFFFFF90];
	[tilespmem:s0+$0x4120] =	vst v5;
	v9 =	vadd.f32 v9, v2  }
0x9f: {  	s14 =	sadd.s32 $0x82, s20;
	s24 =	sadd.s32 $0xC3, s20;
	s13 =	sadd.s32 $0x41, s20;
	v12 =	vadd.f32 v11, v3;
	v5 =	vld [tilespmem:s30+$0xFFFFFFB0];
	[tilespmem:s2+$0x4120] =	vst v6  }
0xa0: {  	s13 =	sand.u32 $0x1FFD, s13;
	s21 =	sand.u32 $0x1FFE, s14;
	s14 =	sand.u32 $0x3FFF, s24;
	v6 =	vld [tilespmem:s30+$0xFFFFFFF0];
	[tilespmem:s10+$0x4120] =	vst v9;
	v10 =	vadd.f32 v10, v1  }
0xa1: {  	s24 =	sand.u32 $0x1FFC, s20;
	v11 =	vadd.f32 v13, v3;
	[tilespmem:s14+$0x4110] =	vst v12;
	v9 =	vld [tilespmem:s30+$0x30];
	s30 =	smov.u32 s1;
	s1 =	sadd.s32 $0x100, s1  }
0xa2: {  	_ = 	snop  }
0xa3: {  	v4 =	vadd.f32 v8, v3  }
0xa4: {  	v3 =	vadd.f32 v7, v3;
	v7 =	vld [tilespmem:s30+$0x60];
	[tilespmem:s13+$0x4110] =	vst v11  }
0xa5: {  	[tilespmem:s24+$0x4110] =	vst v4  }
0xa6: {  	[tilespmem:s21+$0x4110] =	vst v3;
	v3 =	vld [tilespmem:s30+$0xFFFFFFE0]  }
0xa7: {  	v4 =	vld [tilespmem:s30+$0xFFFFFFA0]  }
0xa8: {  	v8 =	vld [tilespmem:s30+$0x20]  }
0xa9: {  	v7 =	vadd.f32 v7, v2;
	_ =	sdelay $0x1  }
0xaa: {  	[tilespmem:s14+$0x4120] =	vst v7;
	v3 =	vadd.f32 v3, v2  }
0xab: {  	v4 =	vadd.f32 v4, v2;
	v7 =	vld [tilespmem:s30+$0x70]  }
0xac: {  	v2 =	vadd.f32 v8, v2;
	[tilespmem:s13+$0x4120] =	vst v3  }
0xad: {  	v3 =	vadd.f32 v5, v1;
	[tilespmem:s24+$0x4120] =	vst v4;
	v5 =	vld [tilespmem:s30+$0xFFFFFFF0]  }
0xae: {  	[tilespmem:s21+$0x4120] =	vst v2;
	v2 =	vadd.f32 v6, v1;
	v4 =	vld [tilespmem:s30+$0xFFFFFFB0]  }
0xaf: {  	[tilespmem:s31+$0x4130] =	vst v10;
	v6 =	vld [tilespmem:s30+$0x30]  }
0xb0: {  	[tilespmem:s2+$0x4130] =	vst v2;
	v2 =	vadd.f32 v7, v1  }
0xb1: {  	s1 =	simm.s32 $0x1860;
	[tilespmem:s0+$0x4130] =	vst v3;
	v3 =	vadd.f32 v9, v1  }
0xb2: {  	[tilespmem:s14+$0x4130] =	vst v2;
	v2 =	vadd.f32 v5, v1;
	v5 =	vadd.s32 s1, v0  }
0xb3: {  	s5 =	simm.s32 $0x0;
	[tilespmem:s10+$0x4130] =	vst v3;
	v3 =	vadd.f32 v4, v1;
	v4 =	vadd.s32 s7, v0  }
0xb4: {  	s1 =	simm.s32 $0x820;
	v1 =	vadd.f32 v6, v1;
	v6 =	vadd.s32 s5, v0;
	[tilespmem:s13+$0x4130] =	vst v2  }
0xb5: {  	s7 =	simm.s32 $0xC30;
	v2 =	vadd.s32 s1, v0;
	[tilespmem:s24+$0x4130] =	vst v3  }
0xb6: {  	s10 =	simm.s32 $0x1450;
	v7 =	vadd.s32 s7, v0;
	[tilespmem:s21+$0x4130] =	vst v1  }
0xb7: {  	s2 =	simm.s32 $0x410;
	v9 =	vadd.s32 s10, v0;
	v5 =	vld.idx.msk [tilespmem:v5+s16+$0x0], $0xffff  }
0xb8: {  	s9 =	simm.s32 $0x1040;
	v3 =	vadd.s32 s2, v0;
	v1 =	vld.idx.msk [tilespmem:v4+s16+$0x0], $0xffff  }
0xb9: {  	s13 =	simm.s32 $0x1C71;
	v4 =	vadd.s32 s9, v0;
	v14 =	vld.idx.msk [tilespmem:v6+s16+$0x0], $0xffff  }
0xba: {  	v11 =	vadd.s32 s13, v0;
	v12 =	vld.idx.msk [tilespmem:v2+s16+$0x0], $0xffff  }
0xbb: {  	s20 =	sand.u32 $0x7000, s29;
	s14 =	simm.s32 $0x1861;
	v15 =	vld.idx.msk [tilespmem:v7+s16+$0x0], $0xffff  }
0xbc: {  	s0 =	sshrl.u32 s20, $0x2;
	v13 =	vadd.s32 s14, v0;
	s21 =	sand.u32 $0x380, s29;
	s24 =	simm.s32 $0x411;
	v7 =	vld.idx.msk [tilespmem:v9+s16+$0x0], $0xffff  }
0xbd: {  	s29 =	simm.s32 $0x821;
	s0 =	sor.u32 s21, s0;
	v16 =	vadd.s32 s24, v0;
	v3 =	vld.idx.msk [tilespmem:v3+s16+$0x0], $0xffff  }
0xbe: {  	v10 =	vadd.s32 s29, v0;
	s9 =	simm.s32 $0x1;
	[tilespmem:s0+$0x61E0] =	vst v5;
	v8 =	vld.idx.msk [tilespmem:v4+s16+$0x0], $0xffff  }
0xbf: {  	s30 =	simm.s32 $0xC31;
	v2 =	vld.idx.msk [tilespmem:v11+s16+$0x0], $0xffff;
	v11 =	vadd.s32 s9, v0;
	[tilespmem:s0+$0x6180] =	vst v14  }
0xc0: {  	s5 =	simm.s32 $0x1041;
	v9 =	vadd.s32 s30, v0;
	[tilespmem:s0+$0x61A0] =	vst v12  }
0xc1: {  	s31 =	simm.s32 $0x1451;
	s1 =	simm.s32 $0x8;
	v6 =	vld.idx.msk [tilespmem:v13+s16+$0x0], $0xffff;
	v4 =	vadd.s32 s5, v0;
	[tilespmem:s0+$0x61B0] =	vst v15  }
0xc2: {  	s7 =	simm.s32 $0x200;
	s2 =	simm.s32 $0x80;
	v5 =	vld.idx.msk [tilespmem:v16+s16+$0x0], $0xffff;
	s5 =	simm.s32 $0x1C72;
	[tilespmem:s0+$0x6190] =	vst v3;
	v3 =	vadd.s32 s31, v0  }
.LBB2_12:
0xc3: {  	s9 =	sadd.s32 $0xFFFFFBF0, s5;
	v12 =	vadd.s32 s5, v0;
	s1 =	sadd.s32 $0x8, s1;
	s10 =	sand.u32 $0x7000, s7;
	v13 =	vld.idx.msk [tilespmem:v10+s16+$0x0], $0xffff;
	[tilespmem:s0+$0x61C0] =	vst v8  }
0xc4: {  	v14 =	vadd.s32 s9, v0;
	p0 =	slt.u32 s1, $0x1F8;
	v15 =	vld.idx.msk [tilespmem:v11+s16+$0x0], $0xffff;
	s9 =	sand.u32 $0x380, s2;
	s10 =	sshrl.u32 s10, $0x2;
	[tilespmem:s0+$0x61D0] =	vst v7  }
0xc5: {  	s13 =	sadd.s32 $0xFFFFE7A0, s5;
	s14 =	sadd.s32 $0xFFFFEBB0, s5;
	v16 =	vld.idx.msk [tilespmem:v9+s16+$0x0], $0xffff;
	[tilespmem:s0+$0x61F0] =	vst v1;
	s0 =	sor.u32 s9, s10;
	v1 =	vmov v2  }
0xc6: {  	v17 =	vadd.s32 s13, v0;
	v10 =	vadd.s32 s14, v0;
	s13 =	sadd.s32 $0xFFFFF7E0, s5;
	s9 =	sadd.s32 $0xFFFFEFC0, s5;
	s10 =	sadd.s32 $0xFFFFF3D0, s5;
	v8 =	vld.idx.msk [tilespmem:v4+s16+$0x0], $0xffff;
	[tilespmem:s0+$0x61E0] =	vst v6  }
.Ltmp12:
0xc7: {  	s14 =	sadd.s32 $0xFFFFE390, s5;
	v9 =	vadd.s32 s9, v0;
	v4 =	vadd.s32 s10, v0;
	v7 =	vld.idx.msk [tilespmem:v3+s16+$0x0], $0xffff;
	v3 =	vadd.s32 s13, v0;
	(pc) =	sbr.rel @p0 .LBB2_12-.Ltmp12, $4  }
0xc8: {  	v11 =	vadd.s32 s14, v0;
	v2 =	vld.idx.msk [tilespmem:v12+s16+$0x0], $0xffff;
	[tilespmem:s0+$0x6190] =	vst v5  }
0xc9: {  	v6 =	vld.idx.msk [tilespmem:v14+s16+$0x0], $0xffff;
	[tilespmem:s0+$0x61A0] =	vst v13  }
0xca: {  	[tilespmem:s0+$0x6180] =	vst v15  }
0xcb: {  	s7 =	sadd.s32 $0x200, s7;
	s2 =	sadd.s32 $0x80, s2;
	s5 =	sadd.s32 $0x1, s5;
	v5 =	vld.idx.msk [tilespmem:v17+s16+$0x0], $0xffff;
	[tilespmem:s0+$0x61B0] =	vst v16  }
0xcc: {  	_ =	sdelay $0x2  }
0xcd: {  	s1 =	sand.u32 $0x7000, s7;
	[tilespmem:s0+$0x61C0] =	vst v8  }
0xce: {  	v10 =	vld.idx.msk [tilespmem:v10+s16+$0x0], $0xffff;
	s2 =	sand.u32 $0x380, s2;
	[tilespmem:s0+$0x61D0] =	vst v7;
	s1 =	sshrl.u32 s1, $0x2  }
0xcf: {  	v62 =	vld.idx.msk [tilespmem:v11+s16+$0x0], $0xffff;
	[tilespmem:s0+$0x61F0] =	vst v1;
	s1 =	sor.u32 s2, s1  }
0xd0: {  	v63 =	vld.idx.msk [tilespmem:v9+s16+$0x0], $0xffff;
	[tilespmem:s1+$0x61E0] =	vst v6  }
0xd1: {  	v1 =	vld.idx.msk [tilespmem:v4+s16+$0x0], $0xffff;
	[tilespmem:s1+$0x61F0] =	vst v2  }
0xd2: {  	v3 =	vld.idx.msk [tilespmem:v3+s16+$0x0], $0xffff;
	[tilespmem:s1+$0x6190] =	vst v5  }
0xd3: {  	p0 =	seq.s32 s28, $0x0;
	[tilespmem:s1+$0x61A0] =	vst v10  }
.Ltmp13:
0xd4: {  	[tilespmem:s1+$0x6180] =	vst v62;
	(pc) =	sbr.rel @p0 .LBB2_22-.Ltmp13, $4  }
0xd5: {  	[tilespmem:s1+$0x61B0] =	vst v63  }
0xd6: {  	s31 =	sshll.u32 s25, $0xF;
	[tilespmem:s1+$0x61C0] =	vst v1  }
0xd7: {  	s0 =	sadd.s32 s31, s8;
	[tilespmem:s1+$0x61D0] =	vst v3  }
0xd8: {  	[hbm4b:s0+s17] =	stream.strided.scatter [tilespmem:s19], [sflag:$0x3], $0x2000, s18, s17, $0x38;
	[tilespmem:$0xD380] =	vst v63  }
.LBB2_17:
0xd9: {  	_ =	swait.ge [sflag:s22], $0x2000  }
0xda: {  	s0 =	sshll.u32 s25, $0x6;
	[sflag:s22] =	ssyncset.done $0x0  }
0xdb: {  	s0 =	sand.u32 $0x3FFFFFC0, s0;
	[sflag:s22] =	ssyncadd.s32 $0xFFFFE000  }
0xdc: {  	s7 =	simm.s32 $0x2180;
	v3 =	vld [tilespmem:s0+$0xA180]  }
0xdd: {  	v5 =	vld [tilespmem:s7+$0x40];
	_ =	sdelay $0x1  }
0xde: {  	v4 =	vld [tilespmem:s0+$0xA190]  }
0xdf: {  	v2 =	vld [tilespmem:s0+$0xA1A0]  }
0xe0: {  	v6 =	vld [tilespmem:s7+$0xFFFFFF80]  }
0xe1: {  	v7 =	vld [tilespmem:s7+$0xFFFFFFC0];
	v5 =	vadd.f32 v5, v3  }
0xe2: {  	s21 =	simm.s32 $0x4182;
	v8 =	vld [tilespmem:s7+$0x0]  }
0xe3: {  	v1 =	vld [tilespmem:s0+$0xA1B0];
	[tilespmem:s21+$0x41] =	vst v5  }
0xe4: {  	v5 =	vld [tilespmem:s7+$0x50]  }
0xe5: {  	v6 =	vadd.f32 v6, v3  }
0xe6: {  	v7 =	vadd.f32 v7, v3  }
0xe7: {  	v8 =	vadd.f32 v8, v3;
	[tilespmem:s21+$0xFFFFFF7E] =	vst v6  }
0xe8: {  	[tilespmem:s21+$0xFFFFFFBF] =	vst v7;
	v6 =	vld [tilespmem:s7+$0xFFFFFF90]  }
0xe9: {  	s24 =	simm.s32 $0xC3;
	[tilespmem:s21+$0x0] =	vst v8;
	v7 =	vld [tilespmem:s7+$0xFFFFFFD0];
	v5 =	vadd.f32 v5, v4  }
0xea: {  	s29 =	simm.s32 $0x2280;
	s30 =	sand.u32 $0x3FFF, s24;
	v8 =	vld [tilespmem:s7+$0x10]  }
0xeb: {  	[tilespmem:s30+$0x4110] =	vst v5;
	v5 =	vld [tilespmem:s29+$0x40]  }
0xec: {  	v9 =	vld [tilespmem:s7+$0x60]  }
0xed: {  	s28 =	simm.s32 $0x0;
	v10 =	vld [tilespmem:s29+$0xFFFFFFC0];
	v6 =	vadd.f32 v6, v4  }
0xee: {  	s1 =	simm.s32 $0x41;
	s0 =	sand.u32 $0x1FFC, s28;
	v11 =	vld [tilespmem:s29+$0x0];
	v7 =	vadd.f32 v7, v4  }
0xef: {  	s5 =	simm.s32 $0x82;
	s2 =	sand.u32 $0x1FFD, s1;
	v8 =	vadd.f32 v8, v4;
	[tilespmem:s0+$0x4110] =	vst v6;
	v6 =	vld [tilespmem:s29+$0xFFFFFF80]  }
0xf0: {  	s10 =	sand.u32 $0x1FFE, s5;
	[tilespmem:s2+$0x4110] =	vst v7;
	v7 =	vld [tilespmem:s7+$0xFFFFFFA0];
	v5 =	vadd.f32 v5, v3  }
0xf1: {  	s5 =	simm.s32 $0x4286;
	[tilespmem:s10+$0x4110] =	vst v8;
	v8 =	vld [tilespmem:s7+$0xFFFFFFE0];
	v9 =	vadd.f32 v9, v2  }
0xf2: {  	v10 =	vadd.f32 v10, v3;
	[tilespmem:s5+$0x41] =	vst v5;
	v5 =	vld [tilespmem:s7+$0x20]  }
0xf3: {  	v11 =	vadd.f32 v11, v3;
	v12 =	vld [tilespmem:s29+$0x50];
	[tilespmem:s30+$0x4120] =	vst v9  }
0xf4: {  	[tilespmem:s5+$0xFFFFFFBF] =	vst v10;
	v6 =	vadd.f32 v6, v3;
	v9 =	vld [tilespmem:s7+$0x70]  }
0xf5: {  	[tilespmem:s5+$0x0] =	vst v11;
	v13 =	vld [tilespmem:s29+$0xFFFFFFD0];
	v10 =	vadd.f32 v7, v2  }
0xf6: {  	v7 =	vld [tilespmem:s29+$0x10];
	[tilespmem:s5+$0xFFFFFF7E] =	vst v6;
	v6 =	vadd.f32 v8, v2  }
0xf7: {  	s9 =	simm.s32 $0x4;
	v8 =	vld [tilespmem:s29+$0xFFFFFF90];
	[tilespmem:s0+$0x4120] =	vst v10;
	v10 =	vadd.f32 v5, v2  }
0xf8: {  	s20 =	simm.s32 $0x104;
	s31 =	simm.s32 $0x145;
	s14 =	simm.s32 $0x1C7;
	[tilespmem:s2+$0x4120] =	vst v6;
	v5 =	vld [tilespmem:s7+$0xFFFFFFB0];
	v12 =	vadd.f32 v12, v4  }
0xf9: {  	s13 =	sand.u32 $0x1FFD, s31;
	s14 =	sand.u32 $0x3FFF, s14;
	s21 =	simm.s32 $0x186;
	v6 =	vld [tilespmem:s7+$0xFFFFFFF0];
	[tilespmem:s10+$0x4120] =	vst v10;
	v10 =	vadd.f32 v9, v1  }
0xfa: {  	s24 =	sand.u32 $0x1FFC, s20;
	s1 =	simm.s32 $0x2380;
	s21 =	sand.u32 $0x1FFE, s21;
	v11 =	vadd.f32 v13, v4;
	[tilespmem:s14+$0x4110] =	vst v12;
	v9 =	vld [tilespmem:s7+$0x30]  }
.LBB2_18:
0xfb: {  	v12 =	vld [tilespmem:s1+$0x40];
	v7 =	vadd.f32 v7, v4;
	[tilespmem:s30+$0x4130] =	vst v10;
	s7 =	simm.s32 $0x1C70;
	s30 =	smov.u32 s14  }
0xfc: {  	s9 =	sadd.s32 $0x4, s9;
	v8 =	vadd.f32 v8, v4;
	[tilespmem:s13+$0x4110] =	vst v11;
	v10 =	vld [tilespmem:s29+$0x60]  }
0xfd: {  	p0 =	slt.u32 s9, $0x7C;
	v11 =	vld [tilespmem:s1+$0xFFFFFFC0];
	[tilespmem:s21+$0x4110] =	vst v7;
	v5 =	vadd.f32 v5, v1  }
0xfe: {  	v7 =	vld [tilespmem:s1+$0x0];
	[tilespmem:s24+$0x4110] =	vst v8;
	v6 =	vadd.f32 v6, v1  }
0xff: {  	v8 =	vld [tilespmem:s1+$0xFFFFFF80];
	[tilespmem:s0+$0x4130] =	vst v5;
	v5 =	vadd.f32 v9, v1;
	s0 =	smov.u32 s24  }
0x100: {  	v9 =	vadd.f32 v12, v3;
	v12 =	vld [tilespmem:s29+$0xFFFFFFA0];
	[tilespmem:s2+$0x4130] =	vst v6;
	s2 =	smov.u32 s13  }
0x101: {  	s5 =	sadd.s32 $0x104, s5;
	v6 =	vld [tilespmem:s29+$0xFFFFFFE0];
	v10 =	vadd.f32 v10, v2;
	[tilespmem:s10+$0x4130] =	vst v5;
	s10 =	smov.u32 s21  }
0x102: {  	v5 =	vadd.f32 v11, v3;
	[tilespmem:s5+$0x41] =	vst v9;
	v9 =	vld [tilespmem:s29+$0x20]  }
0x103: {  	v7 =	vadd.f32 v7, v3;
	v11 =	vld [tilespmem:s1+$0x50];
	[tilespmem:s30+$0x4120] =	vst v10  }
0x104: {  	v8 =	vadd.f32 v8, v3;
	[tilespmem:s5+$0xFFFFFFBF] =	vst v5;
	v10 =	vld [tilespmem:s29+$0x70]  }
0x105: {  	v13 =	vld [tilespmem:s1+$0xFFFFFFD0];
	[tilespmem:s5+$0x0] =	vst v7;
	v5 =	vadd.f32 v12, v2  }
.Ltmp14:
0x106: {  	[tilespmem:s5+$0xFFFFFF7E] =	vst v8;
	v7 =	vld [tilespmem:s1+$0x10];
	v6 =	vadd.f32 v6, v2;
	(pc) =	sbr.rel @p0 .LBB2_18-.Ltmp14, $4  }
0x107: {  	s20 =	sadd.s32 $0x104, s20;
	v8 =	vld [tilespmem:s1+$0xFFFFFF90];
	[tilespmem:s0+$0x4120] =	vst v5;
	v9 =	vadd.f32 v9, v2  }
0x108: {  	s14 =	sadd.s32 $0x82, s20;
	s24 =	sadd.s32 $0xC3, s20;
	s13 =	sadd.s32 $0x41, s20;
	v12 =	vadd.f32 v11, v4;
	v5 =	vld [tilespmem:s29+$0xFFFFFFB0];
	[tilespmem:s2+$0x4120] =	vst v6  }
0x109: {  	s13 =	sand.u32 $0x1FFD, s13;
	s21 =	sand.u32 $0x1FFE, s14;
	s14 =	sand.u32 $0x3FFF, s24;
	v6 =	vld [tilespmem:s29+$0xFFFFFFF0];
	[tilespmem:s10+$0x4120] =	vst v9;
	v10 =	vadd.f32 v10, v1  }
0x10a: {  	s24 =	sand.u32 $0x1FFC, s20;
	v11 =	vadd.f32 v13, v4;
	[tilespmem:s14+$0x4110] =	vst v12;
	v9 =	vld [tilespmem:s29+$0x30];
	s29 =	smov.u32 s1;
	s1 =	sadd.s32 $0x100, s1  }
0x10b: {  	_ = 	snop  }
0x10c: {  	v3 =	vadd.f32 v8, v4  }
0x10d: {  	v4 =	vadd.f32 v7, v4;
	v7 =	vld [tilespmem:s29+$0x60];
	[tilespmem:s13+$0x4110] =	vst v11  }
0x10e: {  	[tilespmem:s24+$0x4110] =	vst v3  }
0x10f: {  	[tilespmem:s21+$0x4110] =	vst v4;
	v4 =	vld [tilespmem:s29+$0xFFFFFFE0]  }
0x110: {  	v3 =	vld [tilespmem:s29+$0xFFFFFFA0]  }
0x111: {  	v8 =	vld [tilespmem:s29+$0x20]  }
0x112: {  	v7 =	vadd.f32 v7, v2;
	_ =	sdelay $0x1  }
0x113: {  	[tilespmem:s14+$0x4120] =	vst v7;
	v4 =	vadd.f32 v4, v2  }
0x114: {  	v3 =	vadd.f32 v3, v2;
	v7 =	vld [tilespmem:s29+$0x70]  }
0x115: {  	v2 =	vadd.f32 v8, v2;
	[tilespmem:s13+$0x4120] =	vst v4  }
0x116: {  	v4 =	vadd.f32 v5, v1;
	[tilespmem:s24+$0x4120] =	vst v3;
	v5 =	vld [tilespmem:s29+$0xFFFFFFF0]  }
0x117: {  	[tilespmem:s21+$0x4120] =	vst v2;
	v2 =	vadd.f32 v6, v1;
	v3 =	vld [tilespmem:s29+$0xFFFFFFB0]  }
0x118: {  	v6 =	vld [tilespmem:s29+$0x30];
	[tilespmem:s0+$0x4130] =	vst v4;
	v4 =	vadd.f32 v9, v1  }
0x119: {  	[tilespmem:s2+$0x4130] =	vst v2;
	v2 =	vadd.f32 v7, v1  }
0x11a: {  	[tilespmem:s10+$0x4130] =	vst v4  }
0x11b: {  	s9 =	simm.s32 $0xC30;
	v4 =	vadd.s32 s7, v0;
	[tilespmem:s14+$0x4130] =	vst v2;
	v2 =	vadd.f32 v5, v1  }
0x11c: {  	[tilespmem:s30+$0x4130] =	vst v10;
	s2 =	simm.s32 $0x1860;
	v7 =	vadd.s32 s9, v0;
	v3 =	vadd.f32 v3, v1  }
0x11d: {  	s7 =	simm.s32 $0x0;
	v5 =	vadd.s32 s2, v0;
	v1 =	vadd.f32 v6, v1;
	[tilespmem:s13+$0x4130] =	vst v2  }
0x11e: {  	s1 =	simm.s32 $0x820;
	v6 =	vadd.s32 s7, v0;
	[tilespmem:s24+$0x4130] =	vst v3  }
0x11f: {  	s14 =	simm.s32 $0x1C71;
	v2 =	vadd.s32 s1, v0;
	[tilespmem:s21+$0x4130] =	vst v1  }
0x120: {  	s5 =	simm.s32 $0x410;
	v11 =	vadd.s32 s14, v0;
	v1 =	vld.idx.msk [tilespmem:v4+s16+$0x0], $0xffff  }
0x121: {  	s10 =	simm.s32 $0x1040;
	v3 =	vadd.s32 s5, v0;
	v15 =	vld.idx.msk [tilespmem:v7+s16+$0x0], $0xffff  }
0x122: {  	s13 =	simm.s32 $0x1450;
	v4 =	vadd.s32 s10, v0;
	v5 =	vld.idx.msk [tilespmem:v5+s16+$0x0], $0xffff  }
0x123: {  	v9 =	vadd.s32 s13, v0;
	v14 =	vld.idx.msk [tilespmem:v6+s16+$0x0], $0xffff  }
0x124: {  	s20 =	simm.s32 $0x1861;
	s21 =	simm.s32 $0x0;
	v12 =	vld.idx.msk [tilespmem:v2+s16+$0x0], $0xffff  }
0x125: {  	v13 =	vadd.s32 s20, v0;
	s24 =	sand.u32 $0x380, s28;
	s28 =	simm.s32 $0x411;
	s0 =	sand.u32 $0x1C00, s21;
	v2 =	vld.idx.msk [tilespmem:v11+s16+$0x0], $0xffff  }
0x126: {  	s29 =	simm.s32 $0x821;
	v16 =	vadd.s32 s28, v0;
	s0 =	sor.u32 s24, s0;
	v3 =	vld.idx.msk [tilespmem:v3+s16+$0x0], $0xffff  }
0x127: {  	v10 =	vadd.s32 s29, v0;
	s9 =	simm.s32 $0x1;
	v8 =	vld.idx.msk [tilespmem:v4+s16+$0x0], $0xffff;
	[tilespmem:s0+$0x81B0] =	vst v15  }
0x128: {  	s30 =	simm.s32 $0xC31;
	v11 =	vadd.s32 s9, v0;
	v7 =	vld.idx.msk [tilespmem:v9+s16+$0x0], $0xffff;
	[tilespmem:s0+$0x81E0] =	vst v5  }
0x129: {  	s5 =	simm.s32 $0x1041;
	v9 =	vadd.s32 s30, v0;
	[tilespmem:s0+$0x8180] =	vst v14  }
0x12a: {  	s31 =	simm.s32 $0x1451;
	s2 =	simm.s32 $0x80;
	v6 =	vld.idx.msk [tilespmem:v13+s16+$0x0], $0xffff;
	v4 =	vadd.s32 s5, v0;
	[tilespmem:s0+$0x81A0] =	vst v12  }
0x12b: {  	s7 =	simm.s32 $0x200;
	s1 =	simm.s32 $0x8;
	s5 =	simm.s32 $0x1C72;
	v5 =	vld.idx.msk [tilespmem:v16+s16+$0x0], $0xffff;
	[tilespmem:s0+$0x8190] =	vst v3;
	v3 =	vadd.s32 s31, v0  }
.LBB2_20:
0x12c: {  	s9 =	sadd.s32 $0xFFFFFBF0, s5;
	v12 =	vadd.s32 s5, v0;
	s1 =	sadd.s32 $0x8, s1;
	s10 =	sshrl.u32 s7, $0x2;
	v13 =	vld.idx.msk [tilespmem:v10+s16+$0x0], $0xffff;
	[tilespmem:s0+$0x81C0] =	vst v8  }
0x12d: {  	v14 =	vadd.s32 s9, v0;
	p0 =	slt.u32 s1, $0x1F8;
	v15 =	vld.idx.msk [tilespmem:v11+s16+$0x0], $0xffff;
	s9 =	sand.u32 $0x380, s2;
	s10 =	sand.u32 $0x1C00, s10;
	[tilespmem:s0+$0x81D0] =	vst v7  }
0x12e: {  	s13 =	sadd.s32 $0xFFFFE7A0, s5;
	s14 =	sadd.s32 $0xFFFFEBB0, s5;
	v16 =	vld.idx.msk [tilespmem:v9+s16+$0x0], $0xffff;
	[tilespmem:s0+$0x81F0] =	vst v1;
	s0 =	sor.u32 s9, s10;
	v1 =	vmov v2  }
0x12f: {  	v17 =	vadd.s32 s13, v0;
	v10 =	vadd.s32 s14, v0;
	s13 =	sadd.s32 $0xFFFFF7E0, s5;
	s9 =	sadd.s32 $0xFFFFEFC0, s5;
	s10 =	sadd.s32 $0xFFFFF3D0, s5;
	v8 =	vld.idx.msk [tilespmem:v4+s16+$0x0], $0xffff;
	[tilespmem:s0+$0x81E0] =	vst v6  }
.Ltmp15:
0x130: {  	s14 =	sadd.s32 $0xFFFFE390, s5;
	v9 =	vadd.s32 s9, v0;
	v4 =	vadd.s32 s10, v0;
	v7 =	vld.idx.msk [tilespmem:v3+s16+$0x0], $0xffff;
	v3 =	vadd.s32 s13, v0;
	(pc) =	sbr.rel @p0 .LBB2_20-.Ltmp15, $4  }
0x131: {  	v11 =	vadd.s32 s14, v0;
	v2 =	vld.idx.msk [tilespmem:v12+s16+$0x0], $0xffff;
	[tilespmem:s0+$0x8190] =	vst v5  }
0x132: {  	v6 =	vld.idx.msk [tilespmem:v14+s16+$0x0], $0xffff;
	[tilespmem:s0+$0x81A0] =	vst v13  }
0x133: {  	[tilespmem:s0+$0x8180] =	vst v15  }
0x134: {  	s7 =	sadd.s32 $0x200, s7;
	s2 =	sadd.s32 $0x80, s2;
	s5 =	sadd.s32 $0x1, s5;
	v5 =	vld.idx.msk [tilespmem:v17+s16+$0x0], $0xffff;
	[tilespmem:s0+$0x81B0] =	vst v16  }
0x135: {  	_ =	sdelay $0x2  }
0x136: {  	s1 =	sshrl.u32 s7, $0x2;
	[tilespmem:s0+$0x81C0] =	vst v8  }
0x137: {  	v10 =	vld.idx.msk [tilespmem:v10+s16+$0x0], $0xffff;
	s2 =	sand.u32 $0x380, s2;
	[tilespmem:s0+$0x81D0] =	vst v7;
	s1 =	sand.u32 $0x1C00, s1  }
0x138: {  	v62 =	vld.idx.msk [tilespmem:v11+s16+$0x0], $0xffff;
	[tilespmem:s0+$0x81F0] =	vst v1;
	s1 =	sor.u32 s2, s1  }
0x139: {  	v63 =	vld.idx.msk [tilespmem:v9+s16+$0x0], $0xffff;
	[tilespmem:s1+$0x81E0] =	vst v6  }
0x13a: {  	v1 =	vld.idx.msk [tilespmem:v4+s16+$0x0], $0xffff;
	[tilespmem:s1+$0x81F0] =	vst v2  }
0x13b: {  	v3 =	vld.idx.msk [tilespmem:v3+s16+$0x0], $0xffff;
	[tilespmem:s1+$0x8190] =	vst v5  }
0x13c: {  	[tilespmem:s1+$0x81A0] =	vst v10  }
.Ltmp16:
0x13d: {  	[tilespmem:s1+$0x8180] =	vst v62;
	(pc) =	sbr.rel .LBB2_22-.Ltmp16, $4  }
0x13e: {  	[tilespmem:s1+$0x81B0] =	vst v63  }
0x13f: {  	s31 =	sshll.u32 s25, $0xF;
	[tilespmem:s1+$0x81C0] =	vst v1  }
0x140: {  	s0 =	sadd.s32 s31, s8;
	[tilespmem:s1+$0x81D0] =	vst v3  }
0x141: {  	[hbm4b:s0+s17] =	stream.strided.scatter [tilespmem:s23], [sflag:$0x4], $0x2000, s18, s17, $0x38;
	[tilespmem:$0xD380] =	vst v63  }
.LBB2_24:
0x142: {  	_ =	sfence.sel $0x180000  }
0x143: {  	[bflag:$0x0] =	sbarrier.arrive $0xFFFF  }
0x144: {  	_ =	strace $0x9000004A  }
0x145: {  	s0 =	stileid.u32;
	[bflag:$0x2] =	sbarrier.arrive $0xFFFF  }
0x146: {  	p0 =	sne.s32 s0, $0x0;
	s0 =	rddreg [dreg:$0x2]  }
0x147: {  	s0 =	sadd.s32 @!p0 $0x100000, s0  }
0x148: {  	[sflag:s0] =	ssyncadd.tile.s32 @!p0 $0x1;
	_ =	shalt  }
.Lfunc_end2:
_tile_overlayer_lowered:
.L_overlay_start_2:
0x149: {  	(tag) =	ssettag $0x2  }
0x14a: {  	s0 =	rddreg [dreg:$0x0];
	s2 =	stileid.u32  }
0x14b: {  	s1 =	rddreg [dreg:$0x1];
	p0 =	sne.s32 s2, $0x0  }
0x14c: {  	s3 =	rddreg [dreg:$0x2];
	[bflag:$0x3] =	sbarrier.arrive $0xFFFF;
	s2 =	simm.s32 @!p0 $0x1C05  }
0x14d: {  	[timem:s3], [sflag:s2] =	dma.local @!p0 [hbm:s0], s1  }
0x14e: {  	s0 =	simm.s32 @!p0 $0x5  }
0x14f: {  	_ =	swait.ge @!p0 [sflag:s0], s1  }
0x150: {  	s1 =	ssub.s32 @!p0 $0x0, s1;
	[sflag:s0] =	ssyncset.done @!p0 $0x0  }
0x151: {  	[sflag:s0] =	ssyncadd.s32 @!p0 s1  }
0x152: {  	[bflag:$0x3] =	sbarrier.arrive $0xFFFF  }
0x153: {  	_ =	shalt  }

// kernel: sparse-core-data-format-call.cloned.1.call-start
scs
called_computation_lowered:
.L_overlay_start_0:
0x0: {  	s2 =	sld [smem:$0x3FD9]  }
0x1: {  	s3 =	sld [smem:$0x3FFE];
	_ =	sdelay $0x1  }
0x2: {  	s1 =	srdreg.scid  }
0x3: {  	s0 =	sand.u32 $0x1, s1  }
0x4: {  	s18 =	sshll.u32 s0, $0xA;
	s2 =	sadd.s32 s3, s2  }
0x5: {  	s2 =	sadd.s32 s2, s18  }
0x6: {  	[smem:$0x3FC5] =	sst s2  }
0x7: {  	_ = 	snop  }
0x8: {  	s2 =	sld [smem:$0x3FC8];
	(tm) =	ssettm $0x1  }
0x9: {  	s19 =	sld [smem:$0x3FFB];
	_ =	sdelay $0x3  }
0xa: {  	_ =	strace s19  }
0xb: {  	s3 =	sld [smem:$0x3FFC];
	_ =	sdelay $0x3  }
0xc: {  	_ =	strace s3  }
0xd: {  	s3 =	sld [smem:$0x3FFD];
	_ =	sdelay $0x3  }
0xe: {  	_ =	strace s3  }
0xf: {  	_ =	strace $0x8FFFFFFF  }
0x10: {  	s20 =	sld [smem:$0x3FDB];
	_ =	sdelay $0x1  }
0x11: {  	s4 =	simm.s32 $_scs_section_size  }
0x12: {  	s5 =	simm.s32 $_size__tile_overlayer_lowered;
	s6 =	simm.s32 $_tile_overlayer_lowered  }
0x13: {  	s23 =	simm.s32 $0x1BFF;
	s22 =	sshll.u32 s6, $0x1;
	s3 =	sadd.s32 s4, s20  }
0x14: {  	s7 =	simm.s32 $0x0;
	s21 =	sshll.u32 s5, $0x1;
	s5 =	sadd.s32 s22, s3  }
0x15: {  	[timem:s7], [sflag:s23] =	dma.local [hbm:s5], s21  }
0x16: {  	_ =	swait.ge [sflag:s23], s21  }
0x17: {  	s4 =	ssub.s32 $0x0, s21;
	[sflag:s23] =	ssyncset.done $0x0  }
0x18: {  	[sflag:s23] =	ssyncadd.s32 s4;
	_ =	sdelay $0x1  }
0x19: {  	s24 =	simm.s32 $0x1B8B  }
0x1a: {  	_ =	swait.ge [sflag:s24], $0x1  }
0x1b: {  	[sflag:s24] =	ssyncset.done $0x0  }
0x1c: {  	s26 =	simm.s32 $0x1B8E;
	s25 =	sld [smem:$0x3FFE];
	[sflag:s24] =	ssyncadd.s32 $0xFFFFFFFF  }
0x1d: {  	s27 =	simm.s32 $execute0_lowered;
	[smem:$0x3FD2] =	sst s26  }
0x1e: {  	s5 =	sshll.u32 s27, $0x1;
	_ =	strace $0x80000046;
	[dreg:$0x1] =	wrdreg $0xFFFFFFFF  }
0x1f: {  	s28 =	simm.s32 $_size_execute0_lowered;
	s3 =	sadd.s32 s3, s5;
	[dreg:$0x0] =	wrdreg $0x0  }
0x20: {  	s5 =	sshll.u32 s28, $0x1;
	[dreg:$0x2] =	wrdreg s3  }
0x21: {  	[dreg:$0x3] =	wrdreg s5  }
0x22: {  	[dreg:$0x4] =	wrdreg $0xC0  }
0x23: {  	_ =	task [dreg:s7], $0x5FFFF  }
0x24: {  	[dreg:$0x1] =	wrdreg $0xFFFFFFFF  }
0x25: {  	[dreg:$0x0] =	wrdreg $0x60  }
0x26: {  	[dreg:$0x2] =	wrdreg s2  }
0x27: {  	[dreg:$0x3] =	wrdreg s25  }
0x28: {  	[dreg:$0x4] =	wrdreg $0x9  }
0x29: {  	_ =	task.clear_ibuf [dreg:s7], $0x5FFFF;
	_ =	strace $0x90000046  }
0x2a: {  	s29 =	simm.s32 $0x9;
	_ =	strace $0x80000048  }
0x2b: {  	_ =	swait.ge [sflag:s29], $0x1  }
0x2c: {  	[sflag:s29] =	ssyncadd.s32 $0xFFFFFFFF  }
0x2d: {  	_ =	strace $0x90000048  }
0x2e: {  	_ =	sfence  }
0x2f: {  	s30 =	sld [smem:$0x0];
	_ =	sdelay $0x2  }
0x30: {  	s31 =	sshll.u32 s1, $0xD;
	s1 =	sshrl.u32 s1, $0x2  }
0x31: {  	s3 =	sand.u32 $0x4000, s31;
	s1 =	sadd.s32 s1, s30  }
0x32: {  	s0 =	sor.u32 s3, s0;
	s1 =	sshll.u32 s1, $0x11  }
0x33: {  	s0 =	sor.u32 s1, s0  }
0x34: {  	s0 =	sadd.s32 $0x8F2B, s0  }
0x35: {  	[sflag:s0] =	ssyncadd.remote.s32 $0x1  }
0x36: {  	_ =	sfence.sel $0xFFFF  }
0x37: {  	[dreg:$0x0] =	wrdreg $0xFFFFFFFF;
	(pc) =	sbr.abs _section_cstart, $3  }
0x38: {  	[dreg:$0x1] =	wrdreg $0xFFFFFFFF  }
0x39: {  	_ =	task.clear_ibuf [dreg:s7], $0x2FFFF;
	_ =	strace $0x9FFFFFFF  }
0x3a: {  	(tm) =	ssettm $0x7FFFFFFF  }
0x3b: {  	_ =	shalt  }
tec
execute0_lowered:
.L_overlay_start_1:
0x0: {  	(tag) =	ssettag $0x1  }
0x1: {  	s0 =	srdreg.scid;
	s2 =	rddreg [dreg:$0x0]  }
0x2: {  	s5 =	rddreg [dreg:$0x1];
	s1 =	stileid.u32  }
0x3: {  	s4 =	simm.s32 $0x1;
	s6 =	simm.s32 $0x2;
	s15 =	simm.s32 $0x0  }
0x4: {  	p0 =	por $0x0, $0x0;
	s8 =	simm.s32 $0x80;
	s0 =	sshll.u32 s0, $0x4  }
0x5: {  	s14 =	simm.s32 $0x0;
	s9 =	simm.s32 $0x0;
	s3 =	sand.u32 $0x10, s0  }
.Ltmp0:
0x6: {  	s10 =	simm.s32 $0x0;
	s3 =	sor.u32 s1, s3;
	(pc) =	sbr.rel .LBB1_1-.Ltmp0, $4  }
0x7: {  	s0 =	rddreg [dreg:$0x2];
	_ =	strace $0x80000047;
	s3 =	sshll.u32 s3, $0x7  }
0x8: {  	s12 =	simm.s32 $0x0;
	[sflag:s4] =	ssyncpa.u1 $0x0;
	s7 =	ssub.s32 $0xF4200, s3  }
0x9: {  	s13 =	simm.s32 $0x0;
	[sflag:s6] =	ssyncpa.u1 $0x0;
	s6 =	sshrl.u32 s7, $0xC  }
0xa: {  	s5 =	sadd.s32 $0xC00, s5;
	s11 =	smov.u32 s3;
	s7 =	sadd.s32 $0x2, s6  }
.LBB1_5:
0xb: {  	p1 =	slt.u32 s13, $0x2  }
0xc: {  	s17 =	smov.u32 s15;
	p2 =	sgt.s32 @!p1 s15, $0xF41C0;
	s16 =	sshra.s32 @!p1 s15, $0x1F  }
0xd: {  	p3 =	sgt.s32 @!p1 s14, $0x40;
	s18 =	sshra.s32 @!p1 s14, $0x1F;
	p2 =	por !p2, p1  }
0xe: {  	s15 =	sand.u32 @!p1 s16, s15;
	p3 =	por !p3, p1;
	s16 =	smov.u32 s14  }
0xf: {  	s14 =	sand.u32 @!p1 s18, s14;
	s17 =	simm.s32 @p2 $0xF41C0;
	s16 =	simm.s32 @p3 $0x40  }
0x10: {  	s15 =	ssub.s32 @!p1 s17, s15;
	s14 =	ssub.s32 @!p1 s16, s14  }
0x11: {  	s18 =	smov.u32 s12;
	s16 =	sadd.s32 @!p1 $0xFFF0BE40, s15;
	s17 =	sadd.s32 @!p1 $0xFFFFFFC0, s14  }
0x12: {  	s15 =	ssub.s32 @!p1 $0xF4240, s15;
	p2 =	sgt.s32 @!p1 s16, $0x7F;
	p3 =	sgt.s32 @!p1 s17, $0x3F  }
0x13: {  	s14 =	ssub.s32 @!p1 $0x80, s14;
	p2 =	por !p2, p1;
	p3 =	por !p3, p1  }
0x14: {  	s16 =	sadd.s32 $0x1000, s11;
	s15 =	simm.s32 @!p2 $0x0;
	s14 =	simm.s32 @!p3 $0x0  }
0x15: {  	p2 =	sgt.s32 s16, $0xF423F;
	s14 =	smul.u32 @!p1 s14, s15;
	s15 =	sadd.s32 $0x40, s12  }
0x16: {  	s18 =	smov.u32 @p2 s15  }
0x17: {  	s16 =	smov.u32 @p2 s3;
	p2 =	sgt.s32 s18, $0x3F  }
0x18: {  	s18 =	simm.s32 @p2 $0x0;
	p2 =	sne.s32 s13, s7  }
.Ltmp1:
0x19: {  	p0 =	por !p0, !p0;
	s17 =	simm.s32 @!p1 $0x2;
	(pc) =	sbr.rel @!p2 .LBB1_6-.Ltmp1, $4  }
0x1a: {  	s15 =	smov.u32 s9;
	s9 =	smov.u32 s11;
	s14 =	sand.u32 @!p1 $0x3FFFFFFF, s14  }
0x1b: {  	s11 =	smov.u32 s16;
	_ =	swait.ge @!p1 [sflag:s17], s14;
	s19 =	ssub.s32 @!p1 $0x0, s14  }
0x1c: {  	s14 =	smov.u32 s10;
	s13 =	sadd.s32 $0x1, s13;
	[sflag:s17] =	ssyncset.done @!p1 $0x0  }
0x1d: {  	s10 =	smov.u32 s12;
	s12 =	smov.u32 s18;
	[sflag:s17] =	ssyncadd.s32 @!p1 s19  }
.LBB1_1:
0x1e: {  	p1 =	sgt.u32 s13, s6  }
0x1f: {  	s16 =	sshrl.u32 @!p1 s12, $0x3  }
0x20: {  	s17 =	sshll.u32 @!p1 s11, $0x3;
	s16 =	smul.u32 @!p1 $0x7A1400, s16  }
0x21: {  	s18 =	sshll.u32 @!p1 s12, $0x7;
	s17 =	sand.u32 @!p1 $0xFFFFFC00, s17  }
0x22: {  	s16 =	sadd.s32 @!p1 s16, s17;
	s17 =	sand.u32 @!p1 $0x380, s18  }
0x23: {  	s18 =	sand.u32 @!p1 $0x7F, s11;
	s16 =	sor.u32 @!p1 s17, s16  }
0x24: {  	s17 =	sor.u32 @!p1 s18, s16  }
0x25: {  	s18 =	smulhi.u32 @!p1 $0x218D6287, s17;
	_ =	sdelay $0x1  }
0x26: {  	s16 =	smulhi.u32 @!p1 $0x218D6287, s16;
	s18 =	sshrl.u32 @!p1 s18, $0x11  }
0x27: {  	s18 =	smul.u32 @!p1 $0xF4280, s18  }
0x28: {  	s19 =	sxor.u32 @!p1 $0xFFFFFFFF, s13;
	s16 =	sshrl.u32 @!p1 s16, $0x11  }
0x29: {  	s19 =	sshll.u32 @!p1 s19, $0xD;
	s16 =	sand.u32 @!p1 $0x3F, s16;
	s17 =	ssub.s32 @!p1 s17, s18  }
0x2a: {  	s16 =	smul.u32 @!p1 $0x1E850, s16;
	s18 =	sshrl.u32 @!p1 s17, $0x3;
	s17 =	sand.u32 @!p1 $0x7, s17  }
0x2b: {  	s19 =	sand.u32 @!p1 $0x2000, s19;
	s18 =	sadd.s32 @!p1 s2, s18;
	s17 =	sshll.u32 @!p1 s17, $0x12  }
0x2c: {  	s16 =	sadd.s32 @!p1 s16, s18;
	s17 =	sor.u32 @!p1 $0x400, s17;
	s18 =	simm.s32 @!p1 $0x7A1400  }
0x2d: {  	[tilespmem:s19], [sflag:$0x1] =	stream.strided.gather @!p1 [hbm4b:s16+s17], $0x2000, s18, s17, $0x38;
	[tilespmem:$0x8100] =	vst v63  }
0x2e: {  	p1 =	seq.s32 s13, $0x0  }
0x2f: {  	p2 =	sge.u32 @!p1 s13, s7  }
0x30: {  	p1 =	por p1, p2  }
.Ltmp2:
0x31: {  	_ = 	snop;
	(pc) =	sbr.rel @p1 .LBB1_5-.Ltmp2, $1  }
0x32: {  	_ =	sdelay $0x3  }
0x33: {  	s16 =	simm.s32 $0x1  }
0x34: {  	_ =	swait.ge [sflag:s4], $0x2000;
	s16 =	simm.s32 @!p0 $0x0  }
0x35: {  	[sflag:s4] =	ssyncset.done $0x0;
	s17 =	sshll.u32 s16, $0xD  }
0x36: {  	[sflag:s4] =	ssyncadd.s32 $0xFFFFE000;
	s17 =	sor.u32 $0x40, s17  }
0x37: {  	s16 =	smul.u32 $0x8200, s16;
	v0 =	vld [tilespmem:s17+$0x30]  }
0x38: {  	v1 =	vld [tilespmem:s17+$0xFFFFFFD0]  }
0x39: {  	s16 =	sshrl.u32 s16, $0x2;
	v5 =	vld [tilespmem:s17+$0xFFFFFFE0]  }
0x3a: {  	v6 =	vld [tilespmem:s17+$0xFFFFFFF0];
	s19 =	sor.u32 $0x4000, s16  }
0x3b: {  	s31 =	sand.u32 $0x1, s13;
	v4 =	vld [tilespmem:s17+$0x0];
	s18 =	sadd.s32 $0x0, s19  }
0x3c: {  	v3 =	vld [tilespmem:s17+$0x10];
	s16 =	smul.u32 $0x8200, s31;
	[tilespmem:s18+$0x1C70 ss:$0x41] =	vst.msk $0xffff, v0  }
0x3d: {  	v2 =	vld [tilespmem:s17+$0x20];
	[tilespmem:s18+$0x410 ss:$0x41] =	vst.msk $0xffff, v1  }
0x3e: {  	s16 =	sshrl.u32 s16, $0x2;
	v1 =	vld [tilespmem:s17+$0xFFFFFFC0];
	[tilespmem:s18+$0x820 ss:$0x41] =	vst.msk $0xffff, v5;
	s17 =	sadd.s32 $0x80, s17  }
0x3f: {  	s20 =	simm.s32 $0x4;
	s21 =	simm.s32 $0x8;
	s16 =	sor.u32 $0x4000, s16;
	[tilespmem:s18+$0xC30 ss:$0x41] =	vst.msk $0xffff, v6;
	v0 =	vld [tilespmem:s17+$0x30]  }
.LBB1_3:
0x40: {  	p1 =	sne.s32 s21, $0xFC;
	v5 =	vld [tilespmem:s17+$0xFFFFFFD0];
	[tilespmem:s18+$0x1040 ss:$0x41] =	vst.msk $0xffff, v4  }
0x41: {  	v6 =	vld [tilespmem:s17+$0xFFFFFFE0];
	[tilespmem:s18+$0x1450 ss:$0x41] =	vst.msk $0xffff, v3  }
0x42: {  	s22 =	sshra.s32 s20, $0x2;
	s20 =	smov.u32 s21;
	v7 =	vld [tilespmem:s17+$0xFFFFFFF0];
	[tilespmem:s18+$0x1860 ss:$0x41] =	vst.msk $0xffff, v2  }
.Ltmp3:
0x43: {  	v4 =	vld [tilespmem:s17+$0x0];
	[tilespmem:s18+$0x0 ss:$0x41] =	vst.msk $0xffff, v1;
	s18 =	sadd.s32 s22, s19;
	(pc) =	sbr.rel @p1 .LBB1_3-.Ltmp3, $4  }
0x44: {  	v3 =	vld [tilespmem:s17+$0x10];
	[tilespmem:s18+$0x1C70 ss:$0x41] =	vst.msk $0xffff, v0  }
0x45: {  	[tilespmem:s18+$0x410 ss:$0x41] =	vst.msk $0xffff, v5;
	v2 =	vld [tilespmem:s17+$0x20]  }
0x46: {  	v1 =	vld [tilespmem:s17+$0xFFFFFFC0];
	[tilespmem:s18+$0x820 ss:$0x41] =	vst.msk $0xffff, v6;
	s17 =	sadd.s32 $0x80, s17  }
0x47: {  	s21 =	sadd.s32 $0x4, s21;
	v0 =	vld [tilespmem:s17+$0x30];
	[tilespmem:s18+$0xC30 ss:$0x41] =	vst.msk $0xffff, v7  }
0x48: {  	s21 =	sshll.u32 s9, $0x7;
	s22 =	sshll.u32 s10, $0x3;
	s20 =	sshra.s32 s20, $0x2  }
0x49: {  	p1 =	sgt.s32 s9, $0xF41C0;
	s30 =	sshra.s32 s9, $0x1F;
	s25 =	sshra.s32 s10, $0x1F  }
0x4a: {  	v5 =	vld [tilespmem:s17+$0xFFFFFFD0];
	s28 =	sshrl.u32 s10, $0x3;
	s23 =	sand.u32 $0xFFFFFC00, s21;
	s22 =	sand.u32 $0xFFFFFC00, s22  }
0x4b: {  	[tilespmem:s18+$0x1040 ss:$0x41] =	vst.msk $0xffff, v4;
	v58 =	vld [tilespmem:s17+$0xFFFFFFE0];
	s21 =	sand.u32 $0x380, s21;
	s19 =	sadd.s32 s20, s19;
	s22 =	sadd.s32 s22, s23  }
0x4c: {  	v59 =	vld [tilespmem:s17+$0xFFFFFFF0];
	[tilespmem:s18+$0x1450 ss:$0x41] =	vst.msk $0xffff, v3;
	s29 =	sor.u32 s21, s22;
	s21 =	smov.u32 s9;
	s22 =	sand.u32 s30, s9  }
0x4d: {  	v60 =	vld [tilespmem:s17+$0x0];
	[tilespmem:s18+$0x1860 ss:$0x41] =	vst.msk $0xffff, v2;
	s30 =	sand.u32 $0x7, s10;
	s20 =	sshrl.u32 s29, $0x7;
	s21 =	simm.s32 @!p1 $0xF41C0  }
0x4e: {  	v61 =	vld [tilespmem:s17+$0x10];
	[tilespmem:s18+$0x0 ss:$0x41] =	vst.msk $0xffff, v1;
	p1 =	sgt.s32 s10, $0x40;
	s24 =	ssub.s32 s21, s22;
	s21 =	smov.u32 s10  }
0x4f: {  	v62 =	vld [tilespmem:s17+$0x20];
	[tilespmem:s19+$0x1C70 ss:$0x41] =	vst.msk $0xffff, v0;
	s31 =	smulhi.u32 $0x218DEF5, s20;
	s22 =	sand.u32 s25, s10;
	s21 =	simm.s32 @!p1 $0x40  }
0x50: {  	v63 =	vld [tilespmem:s17+$0xFFFFFFC0];
	[tilespmem:s19+$0x410 ss:$0x41] =	vst.msk $0xffff, v5;
	s26 =	sadd.s32 $0xFFF0BE40, s24;
	s17 =	ssub.s32 $0xF4240, s24;
	s21 =	ssub.s32 s21, s22  }
0x51: {  	[tilespmem:s19+$0x820 ss:$0x41] =	vst.msk $0xffff, v58;
	s23 =	sshrl.u32 s31, $0xD;
	p1 =	sgt.s32 s26, $0x7F;
	s27 =	sadd.s32 $0xFFFFFFC0, s21  }
0x52: {  	[tilespmem:s19+$0xC30 ss:$0x41] =	vst.msk $0xffff, v59;
	s23 =	smul.u32 $0xF4240, s23;
	s18 =	ssub.s32 $0x80, s21;
	p2 =	sgt.s32 s27, $0x3F  }
.Ltmp4:
0x53: {  	[tilespmem:s19+$0x1040 ss:$0x41] =	vst.msk $0xffff, v60;
	s17 =	simm.s32 @p1 $0x0;
	s18 =	simm.s32 @p2 $0x0;
	(pc) =	sbr.rel .LBB1_5-.Ltmp4, $4  }
0x54: {  	s29 =	sand.u32 $0xF, s28;
	[tilespmem:s19+$0x1450 ss:$0x41] =	vst.msk $0xffff, v61;
	s20 =	ssub.s32 s20, s23;
	s17 =	smul.u32 s18, s17  }
0x55: {  	[tilespmem:s19+$0x1860 ss:$0x41] =	vst.msk $0xffff, v62;
	s21 =	sshll.u32 s30, $0x12;
	s20 =	sshll.u32 s20, $0x4;
	s18 =	sadd.s32 s5, s29  }
0x56: {  	[tilespmem:s19+$0x0 ss:$0x41] =	vst.msk $0xffff, v63;
	s31 =	sor.u32 $0x40, s21;
	s18 =	sadd.s32 s20, s18;
	s17 =	sand.u32 $0x3FFFFFFF, s17  }
0x57: {  	[hbm4b:s18+s31] =	stream.strided.scatter [tilespmem:s16], [sflag:$0x2], s17, s8, s31, $0x18;
	[tilespmem:$0x8100] =	vst v63  }
.LBB1_6:
0x58: {  	_ =	sfence.sel $0x180000  }
0x59: {  	s2 =	simm.s32 $0x1;
	[bflag:$0x0] =	sbarrier.arrive $0xFFFF  }
0x5a: {  	s31 =	simm.s32 $0x2;
	[sflag:s2] =	ssyncpa.u1 $0x1  }
0x5b: {  	[sflag:s31] =	ssyncpa.u1 $0x1  }
0x5c: {  	p0 =	sne.s32 s1, $0x0;
	_ =	strace $0x90000047  }
0x5d: {  	s0 =	sadd.s32 @!p0 $0x100000, s0;
	[bflag:$0x2] =	sbarrier.arrive $0xFFFF  }
0x5e: {  	[sflag:s0] =	ssyncadd.tile.s32 @!p0 $0x1;
	_ =	shalt  }
.Lfunc_end1:
_tile_overlayer_lowered:
.L_overlay_start_2:
0x5f: {  	(tag) =	ssettag $0x2  }
0x60: {  	s0 =	rddreg [dreg:$0x0];
	s2 =	stileid.u32  }
0x61: {  	s1 =	rddreg [dreg:$0x1];
	p0 =	sne.s32 s2, $0x0  }
0x62: {  	s3 =	rddreg [dreg:$0x2];
	[bflag:$0x3] =	sbarrier.arrive $0xFFFF;
	s2 =	simm.s32 @!p0 $0x1C01  }
0x63: {  	[timem:s3], [sflag:s2] =	dma.local @!p0 [hbm:s0], s1  }
0x64: {  	s0 =	simm.s32 @!p0 $0x1  }
0x65: {  	_ =	swait.ge @!p0 [sflag:s0], s1  }
0x66: {  	s1 =	ssub.s32 @!p0 $0x0, s1;
	[sflag:s0] =	ssyncset.done @!p0 $0x0  }
0x67: {  	[sflag:s0] =	ssyncadd.s32 @!p0 s1  }
0x68: {  	[bflag:$0x3] =	sbarrier.arrive $0xFFFF  }
0x69: {  	_ =	shalt  }

</sc_bundles>
